<compile_context>
chip_gen: v7x
topology: tpu7x:2x2x1
jax: 0.10.2.dev20260603
libtpu: 0.0.44.dev20260713+nightly
codegen_flags: <defaults>
</compile_context>

<pallas_src>
import functools

import jax
import jax.numpy as jnp
from jax import lax
from jax.experimental import pallas as pl
from jax.experimental.pallas import tpu as pltpu
from jax.experimental.pallas import tpu_sc as plsc

_NC = 2
_NS = 16
_NW = _NC * _NS
_ROW = 67
_K = 32


@functools.lru_cache(maxsize=None)
def _make_gather(batch):
    b_per_w = batch // _NW
    n_groups = b_per_w // _K
    mesh = plsc.VectorSubcoreMesh(core_axis_name="c", subcore_axis_name="s")

    @functools.partial(
        pl.kernel,
        mesh=mesh,
        compiler_params=pltpu.CompilerParams(needs_layout_passes=False),
        out_type=jax.ShapeDtypeStruct((batch, _ROW), jnp.float32),
        scratch_types=[
            pltpu.VMEM((b_per_w,), jnp.int32),
            pltpu.VMEM((b_per_w, _ROW), jnp.float32),
            pltpu.SemaphoreType.DMA,
            pltpu.SemaphoreType.DMA,
            pltpu.SemaphoreType.DMA,
            pltpu.SemaphoreType.DMA,
        ],
    )
    def gather_kernel(mem_hbm, idx_hbm, out_hbm, idx_v, rows_v,
                      sem, sem1, sem2, sem3):
        sems = (sem, sem1, sem2, sem3)
        wid = lax.axis_index("s") * _NC + lax.axis_index("c")
        base = wid * b_per_w
        pltpu.sync_copy(idx_hbm.at[pl.ds(base, b_per_w)], idx_v)

        def drain(n):
            for i in range(n):
                pltpu.make_async_copy(
                    mem_hbm.at[pl.ds(0, 1)], rows_v.at[pl.ds(0, 1)],
                    sems[i % 4],
                ).wait()

        def do_group(g):
            j0 = g * _K
            for b in range(_K // 16):
                vec = idx_v[pl.ds(j0 + b * 16, 16)]
                for k in range(16):
                    pltpu.async_copy(
                        mem_hbm.at[pl.ds(vec[k], 1)],
                        rows_v.at[pl.ds(j0 + b * 16 + k, 1)],
                        sems[k % 4],
                    )
            @pl.when(g > 0)
            def _():
                drain(_K)

        pl.loop(0, n_groups)(do_group)
        drain(_K)
        pltpu.sync_copy(rows_v, out_hbm.at[pl.ds(base, b_per_w)])

    return gather_kernel


def kernel(memory, indices):
    return _make_gather(indices.shape[0])(memory, indices)

# --- scband reference (transcript-rebuilt; emitter-appended) ---
"""Pipeline reference for scband-buffer-17841294147921 (READ-ONLY COPY).

The authoritative reference and input builder live on the scoring server;
editing this copy changes nothing except your own understanding.
"""

import jax, jax.numpy as jnp
import numpy as np

CAPACITY = 1000000
STATE_DIM = 32
ROW = STATE_DIM + 1 + 1 + STATE_DIM + 1  # state, action, reward, next_state, done = 67
BATCH = 16384


def setup_inputs(seed: int = 0) -> dict:
    key = jax.random.key(seed)
    k_mem, k_idx = jax.random.split(key)
    # The Buffer's persistent memory tensor (torch.empty -> we fill with randn as if populated)
    memory = jax.random.normal(k_mem, (CAPACITY, ROW), dtype=jnp.float32)
    # sample() draws uniform random indices: torch.randint(self.capacity, (batch_size,))
    indices = jax.random.randint(k_idx, (BATCH,), 0, CAPACITY, dtype=jnp.int32)
    return {"memory": memory, "indices": indices}


def reference(memory, indices):
    # Faithful translation of Buffer.sample(batch_size):
    #   return self.memory[torch.randint(self.capacity, (batch_size,)), :]
    # i.e. a row gather from the replay memory at random indices.
    return jnp.take(memory, indices, axis=0)

if __name__ == "__main__":
    import jax
    _d = setup_inputs()
    print(jax.jit(kernel)(*tuple(_d.values())))

</pallas_src>

<mosaic_0001>
#map = affine_map<(d0, d1) -> (0, 0)>
#map1 = affine_map<(d0, d1) -> (0)>
module attributes {stable_mosaic.version = 14 : i64} {
  func.func @gather_kernel(%arg0: i32, %arg1: i32, %arg2: memref<1000000x67xf32, #tpu.memory_space<hbm>>, %arg3: memref<16384xi32, #tpu.memory_space<hbm>>, %arg4: memref<16384x67xf32, #tpu.memory_space<hbm>>, %arg5: memref<512xi32, #tpu.memory_space<vmem>>, %arg6: memref<512x67xf32, #tpu.memory_space<vmem>>, %arg7: memref<!tpu.dma_semaphore, #tpu.memory_space<semaphore_mem>>, %arg8: memref<!tpu.dma_semaphore, #tpu.memory_space<semaphore_mem>>, %arg9: memref<!tpu.dma_semaphore, #tpu.memory_space<semaphore_mem>>, %arg10: memref<!tpu.dma_semaphore, #tpu.memory_space<semaphore_mem>>) attributes {dimension_semantics = [#tpu.dimension_semantics<core_parallel>, #tpu.dimension_semantics<subcore_parallel>], iteration_bounds = array<i64: 2, 16>, scalar_prefetch = 0 : i64, scratch_operands = 6 : i64, tpu.core_type = #tpu.core_type<sc_vector_subcore>, window_params = [{transform_indices = #map}, {transform_indices = #map1}, {transform_indices = #map}]} {
    %mul3A = arith.constant 2 : i32
    %mul3A_0 = arith.muli %arg1, %mul3A : i32
    %add3A = arith.addi %mul3A_0, %arg0 : i32
    %mul3A_1 = arith.constant 512 : i32
    %mul3A_2 = arith.muli %add3A, %mul3A_1 : i32
    "tpu.region"() ({
      %run_scoped3A = tpu.sem_alloc : memref<!tpu.dma_semaphore, #tpu.memory_space<semaphore_mem>>
      %dma_start3A = tpu.memref_slice %arg3[%mul3A_2] : memref<16384xi32, #tpu.memory_space<hbm>> -> memref<512xi32, #tpu.memory_space<hbm>>
      %dma_start3A_390 = tpu.memref_slice %arg3[%mul3A_2] : memref<16384xi32, #tpu.memory_space<hbm>> -> memref<512xi32, #tpu.memory_space<hbm>>
      tpu.enqueue_dma source(%dma_start3A_390 : memref<512xi32, #tpu.memory_space<hbm>>) target(%arg5 : memref<512xi32, #tpu.memory_space<vmem>>) target_semaphore(%run_scoped3A : memref<!tpu.dma_semaphore, #tpu.memory_space<semaphore_mem>>)
      %dma_wait3A_391 = tpu.memref_slice %arg3[%mul3A_2] : memref<16384xi32, #tpu.memory_space<hbm>> -> memref<512xi32, #tpu.memory_space<hbm>>
      %dma_wait3A_392 = tpu.memref_slice %arg3[%mul3A_2] : memref<16384xi32, #tpu.memory_space<hbm>> -> memref<512xi32, #tpu.memory_space<hbm>>
      tpu.wait_dma2 semaphore(%run_scoped3A : memref<!tpu.dma_semaphore, #tpu.memory_space<semaphore_mem>>) src(%dma_wait3A_392 : memref<512xi32, #tpu.memory_space<hbm>>) dst(%arg5 : memref<512xi32, #tpu.memory_space<vmem>>)
      tpu.yield
    }) : () -> ()
    %scan3A = arith.constant 0 : i32
    %scan3A_3 = arith.constant 16 : i32
    %scan3A_4 = arith.addi %scan3A, %scan3A_3 : i32
    %scan3A_5 = arith.constant 1 : i32
    scf.for %scan3A_390 = %scan3A to %scan3A_4 step %scan3A_5  : i32 {
      %mul3A_391 = arith.constant 1 : i32
      %mul3A_392 = arith.muli %scan3A_390, %mul3A_391 : i32
      %add3A_393 = arith.constant 0 : i32
      %add3A_394 = arith.addi %add3A_393, %mul3A_392 : i32
      %mul3A_395 = arith.constant 32 : i32
      %mul3A_396 = arith.muli %add3A_394, %mul3A_395 : i32
      %add3A_397 = arith.constant 0 : i32
      %add3A_398 = arith.addi %mul3A_396, %add3A_397 : i32
      %get3A = arith.index_cast %add3A_398 : i32 to index
      %get3A_399 = tpu.vector_load %arg5[%get3A] {strides = array<i32>} : memref<512xi32, #tpu.memory_space<vmem>>, vector<16xi32>,
      %slice3A = vector.extract_strided_slice %get3A_399 {offsets = [0], sizes = [1], strides = [1]} : vector<16xi32> to vector<1xi32>
      %squeeze3A = vector.extract %slice3A[0] : i32 from vector<1xi32>
      %add3A_400 = arith.constant 0 : i32
      %add3A_401 = arith.addi %mul3A_396, %add3A_400 : i32
      %add3A_402 = arith.constant 0 : i32
      %add3A_403 = arith.addi %add3A_401, %add3A_402 : i32
      %dma_start3A = arith.constant 0 : i32
      %dma_start3A_404 = tpu.memref_slice %arg6[%add3A_403, %dma_start3A] : memref<512x67xf32, #tpu.memory_space<vmem>> -> memref<1x67xf32, #tpu.memory_space<vmem>>
      %dma_start3A_405 = arith.constant 0 : i32
      %dma_start3A_406 = tpu.memref_slice %arg2[%squeeze3A, %dma_start3A_405] : memref<1000000x67xf32, #tpu.memory_space<hbm>> -> memref<1x67xf32, #tpu.memory_space<hbm>>
      %dma_start3A_407 = arith.constant 0 : i32
      %dma_start3A_408 = tpu.memref_slice %arg6[%add3A_403, %dma_start3A_407] : memref<512x67xf32, #tpu.memory_space<vmem>> -> memref<1x67xf32, #tpu.memory_space<vmem>>
      %dma_start3A_409 = arith.constant 0 : i32
      %dma_start3A_410 = tpu.memref_slice %arg2[%squeeze3A, %dma_start3A_409] : memref<1000000x67xf32, #tpu.memory_space<hbm>> -> memref<1x67xf32, #tpu.memory_space<hbm>>
      tpu.enqueue_dma source(%dma_start3A_410 : memref<1x67xf32, #tpu.memory_space<hbm>>) target(%dma_start3A_408 : memref<1x67xf32, #tpu.memory_space<vmem>>) target_semaphore(%arg7 : memref<!tpu.dma_semaphore, #tpu.memory_space<semaphore_mem>>)
      %slice3A_411 = vector.extract_strided_slice %get3A_399 {offsets = [1], sizes = [1], strides = [1]} : vector<16xi32> to vector<1xi32>
      %squeeze3A_412 = vector.extract %slice3A_411[0] : i32 from vector<1xi32>
      %add3A_413 = arith.constant 0 : i32
      %add3A_414 = arith.addi %mul3A_396, %add3A_413 : i32
      %add3A_415 = arith.constant 1 : i32
      %add3A_416 = arith.addi %add3A_414, %add3A_415 : i32
      %dma_start3A_417 = arith.constant 0 : i32
      %dma_start3A_418 = tpu.memref_slice %arg6[%add3A_416, %dma_start3A_417] : memref<512x67xf32, #tpu.memory_space<vmem>> -> memref<1x67xf32, #tpu.memory_space<vmem>>
      %dma_start3A_419 = arith.constant 0 : i32
      %dma_start3A_420 = tpu.memref_slice %arg2[%squeeze3A_412, %dma_start3A_419] : memref<1000000x67xf32, #tpu.memory_space<hbm>> -> memref<1x67xf32, #tpu.memory_space<hbm>>
      %dma_start3A_421 = arith.constant 0 : i32
      %dma_start3A_422 = tpu.memref_slice %arg6[%add3A_416, %dma_start3A_421] : memref<512x67xf32, #tpu.memory_space<vmem>> -> memref<1x67xf32, #tpu.memory_space<vmem>>
      %dma_start3A_423 = arith.constant 0 : i32
      %dma_start3A_424 = tpu.memref_slice %arg2[%squeeze3A_412, %dma_start3A_423] : memref<1000000x67xf32, #tpu.memory_space<hbm>> -> memref<1x67xf32, #tpu.memory_space<hbm>>
      tpu.enqueue_dma source(%dma_start3A_424 : memref<1x67xf32, #tpu.memory_space<hbm>>) target(%dma_start3A_422 : memref<1x67xf32, #tpu.memory_space<vmem>>) target_semaphore(%arg8 : memref<!tpu.dma_semaphore, #tpu.memory_space<semaphore_mem>>)
      %slice3A_425 = vector.extract_strided_slice %get3A_399 {offsets = [2], sizes = [1], strides = [1]} : vector<16xi32> to vector<1xi32>
      %squeeze3A_426 = vector.extract %slice3A_425[0] : i32 from vector<1xi32>
      %add3A_427 = arith.constant 0 : i32
      %add3A_428 = arith.addi %mul3A_396, %add3A_427 : i32
      %add3A_429 = arith.constant 2 : i32
      %add3A_430 = arith.addi %add3A_428, %add3A_429 : i32
      %dma_start3A_431 = arith.constant 0 : i32
      %dma_start3A_432 = tpu.memref_slice %arg6[%add3A_430, %dma_start3A_431] : memref<512x67xf32, #tpu.memory_space<vmem>> -> memref<1x67xf32, #tpu.memory_space<vmem>>
      %dma_start3A_433 = arith.constant 0 : i32
      %dma_start3A_434 = tpu.memref_slice %arg2[%squeeze3A_426, %dma_start3A_433] : memref<1000000x67xf32, #tpu.memory_space<hbm>> -> memref<1x67xf32, #tpu.memory_space<hbm>>
      %dma_start3A_435 = arith.constant 0 : i32
      %dma_start3A_436 = tpu.memref_slice %arg6[%add3A_430, %dma_start3A_435] : memref<512x67xf32, #tpu.memory_space<vmem>> -> memref<1x67xf32, #tpu.memory_space<vmem>>
      %dma_start3A_437 = arith.constant 0 : i32
      %dma_start3A_438 = tpu.memref_slice %arg2[%squeeze3A_426, %dma_start3A_437] : memref<1000000x67xf32, #tpu.memory_space<hbm>> -> memref<1x67xf32, #tpu.memory_space<hbm>>
      tpu.enqueue_dma source(%dma_start3A_438 : memref<1x67xf32, #tpu.memory_space<hbm>>) target(%dma_start3A_436 : memref<1x67xf32, #tpu.memory_space<vmem>>) target_semaphore(%arg9 : memref<!tpu.dma_semaphore, #tpu.memory_space<semaphore_mem>>)
      %slice3A_439 = vector.extract_strided_slice %get3A_399 {offsets = [3], sizes = [1], strides = [1]} : vector<16xi32> to vector<1xi32>
      %squeeze3A_440 = vector.extract %slice3A_439[0] : i32 from vector<1xi32>
      %add3A_441 = arith.constant 0 : i32
      %add3A_442 = arith.addi %mul3A_396, %add3A_441 : i32
      %add3A_443 = arith.constant 3 : i32
      %add3A_444 = arith.addi %add3A_442, %add3A_443 : i32
      %dma_start3A_445 = arith.constant 0 : i32
      %dma_start3A_446 = tpu.memref_slice %arg6[%add3A_444, %dma_start3A_445] : memref<512x67xf32, #tpu.memory_space<vmem>> -> memref<1x67xf32, #tpu.memory_space<vmem>>
      %dma_start3A_447 = arith.constant 0 : i32
      %dma_start3A_448 = tpu.memref_slice %arg2[%squeeze3A_440, %dma_start3A_447] : memref<1000000x67xf32, #tpu.memory_space<hbm>> -> memref<1x67xf32, #tpu.memory_space<hbm>>
      %dma_start3A_449 = arith.constant 0 : i32
      %dma_start3A_450 = tpu.memref_slice %arg6[%add3A_444, %dma_start3A_449] : memref<512x67xf32, #tpu.memory_space<vmem>> -> memref<1x67xf32, #tpu.memory_space<vmem>>
      %dma_start3A_451 = arith.constant 0 : i32
      %dma_start3A_452 = tpu.memref_slice %arg2[%squeeze3A_440, %dma_start3A_451] : memref<1000000x67xf32, #tpu.memory_space<hbm>> -> memref<1x67xf32, #tpu.memory_space<hbm>>
      tpu.enqueue_dma source(%dma_start3A_452 : memref<1x67xf32, #tpu.memory_space<hbm>>) target(%dma_start3A_450 : memref<1x67xf32, #tpu.memory_space<vmem>>) target_semaphore(%arg10 : memref<!tpu.dma_semaphore, #tpu.memory_space<semaphore_mem>>)
      %slice3A_453 = vector.extract_strided_slice %get3A_399 {offsets = [4], sizes = [1], strides = [1]} : vector<16xi32> to vector<1xi32>
      %squeeze3A_454 = vector.extract %slice3A_453[0] : i32 from vector<1xi32>
      %add3A_455 = arith.constant 0 : i32
      %add3A_456 = arith.addi %mul3A_396, %add3A_455 : i32
      %add3A_457 = arith.constant 4 : i32
      %add3A_458 = arith.addi %add3A_456, %add3A_457 : i32
      %dma_start3A_459 = arith.constant 0 : i32
      %dma_start3A_460 = tpu.memref_slice %arg6[%add3A_458, %dma_start3A_459] : memref<512x67xf32, #tpu.memory_space<vmem>> -> memref<1x67xf32, #tpu.memory_space<vmem>>
      %dma_start3A_461 = arith.constant 0 : i32
      %dma_start3A_462 = tpu.memref_slice %arg2[%squeeze3A_454, %dma_start3A_461] : memref<1000000x67xf32, #tpu.memory_space<hbm>> -> memref<1x67xf32, #tpu.memory_space<hbm>>
      %dma_start3A_463 = arith.constant 0 : i32
      %dma_start3A_464 = tpu.memref_slice %arg6[%add3A_458, %dma_start3A_463] : memref<512x67xf32, #tpu.memory_space<vmem>> -> memref<1x67xf32, #tpu.memory_space<vmem>>
      %dma_start3A_465 = arith.constant 0 : i32
      %dma_start3A_466 = tpu.memref_slice %arg2[%squeeze3A_454, %dma_start3A_465] : memref<1000000x67xf32, #tpu.memory_space<hbm>> -> memref<1x67xf32, #tpu.memory_space<hbm>>
      tpu.enqueue_dma source(%dma_start3A_466 : memref<1x67xf32, #tpu.memory_space<hbm>>) target(%dma_start3A_464 : memref<1x67xf32, #tpu.memory_space<vmem>>) target_semaphore(%arg7 : memref<!tpu.dma_semaphore, #tpu.memory_space<semaphore_mem>>)
      %slice3A_467 = vector.extract_strided_slice %get3A_399 {offsets = [5], sizes = [1], strides = [1]} : vector<16xi32> to vector<1xi32>
      %squeeze3A_468 = vector.extract %slice3A_467[0] : i32 from vector<1xi32>
      %add3A_469 = arith.constant 0 : i32
      %add3A_470 = arith.addi %mul3A_396, %add3A_469 : i32
      %add3A_471 = arith.constant 5 : i32
      %add3A_472 = arith.addi %add3A_470, %add3A_471 : i32
      %dma_start3A_473 = arith.constant 0 : i32
      %dma_start3A_474 = tpu.memref_slice %arg6[%add3A_472, %dma_start3A_473] : memref<512x67xf32, #tpu.memory_space<vmem>> -> memref<1x67xf32, #tpu.memory_space<vmem>>
      %dma_start3A_475 = arith.constant 0 : i32
      %dma_start3A_476 = tpu.memref_slice %arg2[%squeeze3A_468, %dma_start3A_475] : memref<1000000x67xf32, #tpu.memory_space<hbm>> -> memref<1x67xf32, #tpu.memory_space<hbm>>
      %dma_start3A_477 = arith.constant 0 : i32
      %dma_start3A_478 = tpu.memref_slice %arg6[%add3A_472, %dma_start3A_477] : memref<512x67xf32, #tpu.memory_space<vmem>> -> memref<1x67xf32, #tpu.memory_space<vmem>>
      %dma_start3A_479 = arith.constant 0 : i32
      %dma_start3A_480 = tpu.memref_slice %arg2[%squeeze3A_468, %dma_start3A_479] : memref<1000000x67xf32, #tpu.memory_space<hbm>> -> memref<1x67xf32, #tpu.memory_space<hbm>>
      tpu.enqueue_dma source(%dma_start3A_480 : memref<1x67xf32, #tpu.memory_space<hbm>>) target(%dma_start3A_478 : memref<1x67xf32, #tpu.memory_space<vmem>>) target_semaphore(%arg8 : memref<!tpu.dma_semaphore, #tpu.memory_space<semaphore_mem>>)
      %slice3A_481 = vector.extract_strided_slice %get3A_399 {offsets = [6], sizes = [1], strides = [1]} : vector<16xi32> to vector<1xi32>
      %squeeze3A_482 = vector.extract %slice3A_481[0] : i32 from vector<1xi32>
      %add3A_483 = arith.constant 0 : i32
      %add3A_484 = arith.addi %mul3A_396, %add3A_483 : i32
      %add3A_485 = arith.constant 6 : i32
      %add3A_486 = arith.addi %add3A_484, %add3A_485 : i32
      %dma_start3A_487 = arith.constant 0 : i32
      %dma_start3A_488 = tpu.memref_slice %arg6[%add3A_486, %dma_start3A_487] : memref<512x67xf32, #tpu.memory_space<vmem>> -> memref<1x67xf32, #tpu.memory_space<vmem>>
      %dma_start3A_489 = arith.constant 0 : i32
      %dma_start3A_490 = tpu.memref_slice %arg2[%squeeze3A_482, %dma_start3A_489] : memref<1000000x67xf32, #tpu.memory_space<hbm>> -> memref<1x67xf32, #tpu.memory_space<hbm>>
      %dma_start3A_491 = arith.constant 0 : i32
      %dma_start3A_492 = tpu.memref_slice %arg6[%add3A_486, %dma_start3A_491] : memref<512x67xf32, #tpu.memory_space<vmem>> -> memref<1x67xf32, #tpu.memory_space<vmem>>
      %dma_start3A_493 = arith.constant 0 : i32
      %dma_start3A_494 = tpu.memref_slice %arg2[%squeeze3A_482, %dma_start3A_493] : memref<1000000x67xf32, #tpu.memory_space<hbm>> -> memref<1x67xf32, #tpu.memory_space<hbm>>
      tpu.enqueue_dma source(%dma_start3A_494 : memref<1x67xf32, #tpu.memory_space<hbm>>) target(%dma_start3A_492 : memref<1x67xf32, #tpu.memory_space<vmem>>) target_semaphore(%arg9 : memref<!tpu.dma_semaphore, #tpu.memory_space<semaphore_mem>>)
      %slice3A_495 = vector.extract_strided_slice %get3A_399 {offsets = [7], sizes = [1], strides = [1]} : vector<16xi32> to vector<1xi32>
      %squeeze3A_496 = vector.extract %slice3A_495[0] : i32 from vector<1xi32>
      %add3A_497 = arith.constant 0 : i32
      %add3A_498 = arith.addi %mul3A_396, %add3A_497 : i32
      %add3A_499 = arith.constant 7 : i32
      %add3A_500 = arith.addi %add3A_498, %add3A_499 : i32
      %dma_start3A_501 = arith.constant 0 : i32
      %dma_start3A_502 = tpu.memref_slice %arg6[%add3A_500, %dma_start3A_501] : memref<512x67xf32, #tpu.memory_space<vmem>> -> memref<1x67xf32, #tpu.memory_space<vmem>>
      %dma_start3A_503 = arith.constant 0 : i32
      %dma_start3A_504 = tpu.memref_slice %arg2[%squeeze3A_496, %dma_start3A_503] : memref<1000000x67xf32, #tpu.memory_space<hbm>> -> memref<1x67xf32, #tpu.memory_space<hbm>>
      %dma_start3A_505 = arith.constant 0 : i32
      %dma_start3A_506 = tpu.memref_slice %arg6[%add3A_500, %dma_start3A_505] : memref<512x67xf32, #tpu.memory_space<vmem>> -> memref<1x67xf32, #tpu.memory_space<vmem>>
      %dma_start3A_507 = arith.constant 0 : i32
      %dma_start3A_508 = tpu.memref_slice %arg2[%squeeze3A_496, %dma_start3A_507] : memref<1000000x67xf32, #tpu.memory_space<hbm>> -> memref<1x67xf32, #tpu.memory_space<hbm>>
      tpu.enqueue_dma source(%dma_start3A_508 : memref<1x67xf32, #tpu.memory_space<hbm>>) target(%dma_start3A_506 : memref<1x67xf32, #tpu.memory_space<vmem>>) target_semaphore(%arg10 : memref<!tpu.dma_semaphore, #tpu.memory_space<semaphore_mem>>)
      %slice3A_509 = vector.extract_strided_slice %get3A_399 {offsets = [8], sizes = [1], strides = [1]} : vector<16xi32> to vector<1xi32>
      %squeeze3A_510 = vector.extract %slice3A_509[0] : i32 from vector<1xi32>
      %add3A_511 = arith.constant 0 : i32
      %add3A_512 = arith.addi %mul3A_396, %add3A_511 : i32
      %add3A_513 = arith.constant 8 : i32
      %add3A_514 = arith.addi %add3A_512, %add3A_513 : i32
      %dma_start3A_515 = arith.constant 0 : i32
      %dma_start3A_516 = tpu.memref_slice %arg6[%add3A_514, %dma_start3A_515] : memref<512x67xf32, #tpu.memory_space<vmem>> -> memref<1x67xf32, #tpu.memory_space<vmem>>
      %dma_start3A_517 = arith.constant 0 : i32
      %dma_start3A_518 = tpu.memref_slice %arg2[%squeeze3A_510, %dma_start3A_517] : memref<1000000x67xf32, #tpu.memory_space<hbm>> -> memref<1x67xf32, #tpu.memory_space<hbm>>
      %dma_start3A_519 = arith.constant 0 : i32
      %dma_start3A_520 = tpu.memref_slice %arg6[%add3A_514, %dma_start3A_519] : memref<512x67xf32, #tpu.memory_space<vmem>> -> memref<1x67xf32, #tpu.memory_space<vmem>>
      %dma_start3A_521 = arith.constant 0 : i32
      %dma_start3A_522 = tpu.memref_slice %arg2[%squeeze3A_510, %dma_start3A_521] : memref<1000000x67xf32, #tpu.memory_space<hbm>> -> memref<1x67xf32, #tpu.memory_space<hbm>>
      tpu.enqueue_dma source(%dma_start3A_522 : memref<1x67xf32, #tpu.memory_space<hbm>>) target(%dma_start3A_520 : memref<1x67xf32, #tpu.memory_space<vmem>>) target_semaphore(%arg7 : memref<!tpu.dma_semaphore, #tpu.memory_space<semaphore_mem>>)
      %slice3A_523 = vector.extract_strided_slice %get3A_399 {offsets = [9], sizes = [1], strides = [1]} : vector<16xi32> to vector<1xi32>
      %squeeze3A_524 = vector.extract %slice3A_523[0] : i32 from vector<1xi32>
      %add3A_525 = arith.constant 0 : i32
      %add3A_526 = arith.addi %mul3A_396, %add3A_525 : i32
      %add3A_527 = arith.constant 9 : i32
      %add3A_528 = arith.addi %add3A_526, %add3A_527 : i32
      %dma_start3A_529 = arith.constant 0 : i32
      %dma_start3A_530 = tpu.memref_slice %arg6[%add3A_528, %dma_start3A_529] : memref<512x67xf32, #tpu.memory_space<vmem>> -> memref<1x67xf32, #tpu.memory_space<vmem>>
      %dma_start3A_531 = arith.constant 0 : i32
      %dma_start3A_532 = tpu.memref_slice %arg2[%squeeze3A_524, %dma_start3A_531] : memref<1000000x67xf32, #tpu.memory_space<hbm>> -> memref<1x67xf32, #tpu.memory_space<hbm>>
      %dma_start3A_533 = arith.constant 0 : i32
      %dma_start3A_534 = tpu.memref_slice %arg6[%add3A_528, %dma_start3A_533] : memref<512x67xf32, #tpu.memory_space<vmem>> -> memref<1x67xf32, #tpu.memory_space<vmem>>
      %dma_start3A_535 = arith.constant 0 : i32
      %dma_start3A_536 = tpu.memref_slice %arg2[%squeeze3A_524, %dma_start3A_535] : memref<1000000x67xf32, #tpu.memory_space<hbm>> -> memref<1x67xf32, #tpu.memory_space<hbm>>
      tpu.enqueue_dma source(%dma_start3A_536 : memref<1x67xf32, #tpu.memory_space<hbm>>) target(%dma_start3A_534 : memref<1x67xf32, #tpu.memory_space<vmem>>) target_semaphore(%arg8 : memref<!tpu.dma_semaphore, #tpu.memory_space<semaphore_mem>>)
      %slice3A_537 = vector.extract_strided_slice %get3A_399 {offsets = [10], sizes = [1], strides = [1]} : vector<16xi32> to vector<1xi32>
      %squeeze3A_538 = vector.extract %slice3A_537[0] : i32 from vector<1xi32>
      %add3A_539 = arith.constant 0 : i32
      %add3A_540 = arith.addi %mul3A_396, %add3A_539 : i32
      %add3A_541 = arith.constant 10 : i32
      %add3A_542 = arith.addi %add3A_540, %add3A_541 : i32
      %dma_start3A_543 = arith.constant 0 : i32
      %dma_start3A_544 = tpu.memref_slice %arg6[%add3A_542, %dma_start3A_543] : memref<512x67xf32, #tpu.memory_space<vmem>> -> memref<1x67xf32, #tpu.memory_space<vmem>>
      %dma_start3A_545 = arith.constant 0 : i32
      %dma_start3A_546 = tpu.memref_slice %arg2[%squeeze3A_538, %dma_start3A_545] : memref<1000000x67xf32, #tpu.memory_space<hbm>> -> memref<1x67xf32, #tpu.memory_space<hbm>>
      %dma_start3A_547 = arith.constant 0 : i32
      %dma_start3A_548 = tpu.memref_slice %arg6[%add3A_542, %dma_start3A_547] : memref<512x67xf32, #tpu.memory_space<vmem>> -> memref<1x67xf32, #tpu.memory_space<vmem>>
      %dma_start3A_549 = arith.constant 0 : i32
      %dma_start3A_550 = tpu.memref_slice %arg2[%squeeze3A_538, %dma_start3A_549] : memref<1000000x67xf32, #tpu.memory_space<hbm>> -> memref<1x67xf32, #tpu.memory_space<hbm>>
      tpu.enqueue_dma source(%dma_start3A_550 : memref<1x67xf32, #tpu.memory_space<hbm>>) target(%dma_start3A_548 : memref<1x67xf32, #tpu.memory_space<vmem>>) target_semaphore(%arg9 : memref<!tpu.dma_semaphore, #tpu.memory_space<semaphore_mem>>)
      %slice3A_551 = vector.extract_strided_slice %get3A_399 {offsets = [11], sizes = [1], strides = [1]} : vector<16xi32> to vector<1xi32>
      %squeeze3A_552 = vector.extract %slice3A_551[0] : i32 from vector<1xi32>
      %add3A_553 = arith.constant 0 : i32
      %add3A_554 = arith.addi %mul3A_396, %add3A_553 : i32
      %add3A_555 = arith.constant 11 : i32
      %add3A_556 = arith.addi %add3A_554, %add3A_555 : i32
      %dma_start3A_557 = arith.constant 0 : i32
      %dma_start3A_558 = tpu.memref_slice %arg6[%add3A_556, %dma_start3A_557] : memref<512x67xf32, #tpu.memory_space<vmem>> -> memref<1x67xf32, #tpu.memory_space<vmem>>
      %dma_start3A_559 = arith.constant 0 : i32
      %dma_start3A_560 = tpu.memref_slice %arg2[%squeeze3A_552, %dma_start3A_559] : memref<1000000x67xf32, #tpu.memory_space<hbm>> -> memref<1x67xf32, #tpu.memory_space<hbm>>
      %dma_start3A_561 = arith.constant 0 : i32
      %dma_start3A_562 = tpu.memref_slice %arg6[%add3A_556, %dma_start3A_561] : memref<512x67xf32, #tpu.memory_space<vmem>> -> memref<1x67xf32, #tpu.memory_space<vmem>>
      %dma_start3A_563 = arith.constant 0 : i32
      %dma_start3A_564 = tpu.memref_slice %arg2[%squeeze3A_552, %dma_start3A_563] : memref<1000000x67xf32, #tpu.memory_space<hbm>> -> memref<1x67xf32, #tpu.memory_space<hbm>>
      tpu.enqueue_dma source(%dma_start3A_564 : memref<1x67xf32, #tpu.memory_space<hbm>>) target(%dma_start3A_562 : memref<1x67xf32, #tpu.memory_space<vmem>>) target_semaphore(%arg10 : memref<!tpu.dma_semaphore, #tpu.memory_space<semaphore_mem>>)
      %slice3A_565 = vector.extract_strided_slice %get3A_399 {offsets = [12], sizes = [1], strides = [1]} : vector<16xi32> to vector<1xi32>
      %squeeze3A_566 = vector.extract %slice3A_565[0] : i32 from vector<1xi32>
      %add3A_567 = arith.constant 0 : i32
      %add3A_568 = arith.addi %mul3A_396, %add3A_567 : i32
      %add3A_569 = arith.constant 12 : i32
      %add3A_570 = arith.addi %add3A_568, %add3A_569 : i32
      %dma_start3A_571 = arith.constant 0 : i32
      %dma_start3A_572 = tpu.memref_slice %arg6[%add3A_570, %dma_start3A_571] : memref<512x67xf32, #tpu.memory_space<vmem>> -> memref<1x67xf32, #tpu.memory_space<vmem>>
      %dma_start3A_573 = arith.constant 0 : i32
      %dma_start3A_574 = tpu.memref_slice %arg2[%squeeze3A_566, %dma_start3A_573] : memref<1000000x67xf32, #tpu.memory_space<hbm>> -> memref<1x67xf32, #tpu.memory_space<hbm>>
      %dma_start3A_575 = arith.constant 0 : i32
      %dma_start3A_576 = tpu.memref_slice %arg6[%add3A_570, %dma_start3A_575] : memref<512x67xf32, #tpu.memory_space<vmem>> -> memref<1x67xf32, #tpu.memory_space<vmem>>
      %dma_start3A_577 = arith.constant 0 : i32
      %dma_start3A_578 = tpu.memref_slice %arg2[%squeeze3A_566, %dma_start3A_577] : memref<1000000x67xf32, #tpu.memory_space<hbm>> -> memref<1x67xf32, #tpu.memory_space<hbm>>
      tpu.enqueue_dma source(%dma_start3A_578 : memref<1x67xf32, #tpu.memory_space<hbm>>) target(%dma_start3A_576 : memref<1x67xf32, #tpu.memory_space<vmem>>) target_semaphore(%arg7 : memref<!tpu.dma_semaphore, #tpu.memory_space<semaphore_mem>>)
      %slice3A_579 = vector.extract_strided_slice %get3A_399 {offsets = [13], sizes = [1], strides = [1]} : vector<16xi32> to vector<1xi32>
      %squeeze3A_580 = vector.extract %slice3A_579[0] : i32 from vector<1xi32>
      %add3A_581 = arith.constant 0 : i32
      %add3A_582 = arith.addi %mul3A_396, %add3A_581 : i32
      %add3A_583 = arith.constant 13 : i32
      %add3A_584 = arith.addi %add3A_582, %add3A_583 : i32
      %dma_start3A_585 = arith.constant 0 : i32
      %dma_start3A_586 = tpu.memref_slice %arg6[%add3A_584, %dma_start3A_585] : memref<512x67xf32, #tpu.memory_space<vmem>> -> memref<1x67xf32, #tpu.memory_space<vmem>>
      %dma_start3A_587 = arith.constant 0 : i32
      %dma_start3A_588 = tpu.memref_slice %arg2[%squeeze3A_580, %dma_start3A_587] : memref<1000000x67xf32, #tpu.memory_space<hbm>> -> memref<1x67xf32, #tpu.memory_space<hbm>>
      %dma_start3A_589 = arith.constant 0 : i32
      %dma_start3A_590 = tpu.memref_slice %arg6[%add3A_584, %dma_start3A_589] : memref<512x67xf32, #tpu.memory_space<vmem>> -> memref<1x67xf32, #tpu.memory_space<vmem>>
      %dma_start3A_591 = arith.constant 0 : i32
      %dma_start3A_592 = tpu.memref_slice %arg2[%squeeze3A_580, %dma_start3A_591] : memref<1000000x67xf32, #tpu.memory_space<hbm>> -> memref<1x67xf32, #tpu.memory_space<hbm>>
      tpu.enqueue_dma source(%dma_start3A_592 : memref<1x67xf32, #tpu.memory_space<hbm>>) target(%dma_start3A_590 : memref<1x67xf32, #tpu.memory_space<vmem>>) target_semaphore(%arg8 : memref<!tpu.dma_semaphore, #tpu.memory_space<semaphore_mem>>)
      %slice3A_593 = vector.extract_strided_slice %get3A_399 {offsets = [14], sizes = [1], strides = [1]} : vector<16xi32> to vector<1xi32>
      %squeeze3A_594 = vector.extract %slice3A_593[0] : i32 from vector<1xi32>
      %add3A_595 = arith.constant 0 : i32
      %add3A_596 = arith.addi %mul3A_396, %add3A_595 : i32
      %add3A_597 = arith.constant 14 : i32
      %add3A_598 = arith.addi %add3A_596, %add3A_597 : i32
      %dma_start3A_599 = arith.constant 0 : i32
      %dma_start3A_600 = tpu.memref_slice %arg6[%add3A_598, %dma_start3A_599] : memref<512x67xf32, #tpu.memory_space<vmem>> -> memref<1x67xf32, #tpu.memory_space<vmem>>
      %dma_start3A_601 = arith.constant 0 : i32
      %dma_start3A_602 = tpu.memref_slice %arg2[%squeeze3A_594, %dma_start3A_601] : memref<1000000x67xf32, #tpu.memory_space<hbm>> -> memref<1x67xf32, #tpu.memory_space<hbm>>
      %dma_start3A_603 = arith.constant 0 : i32
      %dma_start3A_604 = tpu.memref_slice %arg6[%add3A_598, %dma_start3A_603] : memref<512x67xf32, #tpu.memory_space<vmem>> -> memref<1x67xf32, #tpu.memory_space<vmem>>
      %dma_start3A_605 = arith.constant 0 : i32
      %dma_start3A_606 = tpu.memref_slice %arg2[%squeeze3A_594, %dma_start3A_605] : memref<1000000x67xf32, #tpu.memory_space<hbm>> -> memref<1x67xf32, #tpu.memory_space<hbm>>
      tpu.enqueue_dma source(%dma_start3A_606 : memref<1x67xf32, #tpu.memory_space<hbm>>) target(%dma_start3A_604 : memref<1x67xf32, #tpu.memory_space<vmem>>) target_semaphore(%arg9 : memref<!tpu.dma_semaphore, #tpu.memory_space<semaphore_mem>>)
      %slice3A_607 = vector.extract_strided_slice %get3A_399 {offsets = [15], sizes = [1], strides = [1]} : vector<16xi32> to vector<1xi32>
      %squeeze3A_608 = vector.extract %slice3A_607[0] : i32 from vector<1xi32>
      %add3A_609 = arith.constant 0 : i32
      %add3A_610 = arith.addi %mul3A_396, %add3A_609 : i32
      %add3A_611 = arith.constant 15 : i32
      %add3A_612 = arith.addi %add3A_610, %add3A_611 : i32
      %dma_start3A_613 = arith.constant 0 : i32
      %dma_start3A_614 = tpu.memref_slice %arg6[%add3A_612, %dma_start3A_613] : memref<512x67xf32, #tpu.memory_space<vmem>> -> memref<1x67xf32, #tpu.memory_space<vmem>>
      %dma_start3A_615 = arith.constant 0 : i32
      %dma_start3A_616 = tpu.memref_slice %arg2[%squeeze3A_608, %dma_start3A_615] : memref<1000000x67xf32, #tpu.memory_space<hbm>> -> memref<1x67xf32, #tpu.memory_space<hbm>>
      %dma_start3A_617 = arith.constant 0 : i32
      %dma_start3A_618 = tpu.memref_slice %arg6[%add3A_612, %dma_start3A_617] : memref<512x67xf32, #tpu.memory_space<vmem>> -> memref<1x67xf32, #tpu.memory_space<vmem>>
      %dma_start3A_619 = arith.constant 0 : i32
      %dma_start3A_620 = tpu.memref_slice %arg2[%squeeze3A_608, %dma_start3A_619] : memref<1000000x67xf32, #tpu.memory_space<hbm>> -> memref<1x67xf32, #tpu.memory_space<hbm>>
      tpu.enqueue_dma source(%dma_start3A_620 : memref<1x67xf32, #tpu.memory_space<hbm>>) target(%dma_start3A_618 : memref<1x67xf32, #tpu.memory_space<vmem>>) target_semaphore(%arg10 : memref<!tpu.dma_semaphore, #tpu.memory_space<semaphore_mem>>)
      %add3A_621 = arith.constant 16 : i32
      %add3A_622 = arith.addi %mul3A_396, %add3A_621 : i32
      %get3A_623 = arith.index_cast %add3A_622 : i32 to index
      %get3A_624 = tpu.vector_load %arg5[%get3A_623] {strides = array<i32>} : memref<512xi32, #tpu.memory_space<vmem>>, vector<16xi32>,
      %slice3A_625 = vector.extract_strided_slice %get3A_624 {offsets = [0], sizes = [1], strides = [1]} : vector<16xi32> to vector<1xi32>
      %squeeze3A_626 = vector.extract %slice3A_625[0] : i32 from vector<1xi32>
      %add3A_627 = arith.constant 16 : i32
      %add3A_628 = arith.addi %mul3A_396, %add3A_627 : i32
      %add3A_629 = arith.constant 0 : i32
      %add3A_630 = arith.addi %add3A_628, %add3A_629 : i32
      %dma_start3A_631 = arith.constant 0 : i32
      %dma_start3A_632 = tpu.memref_slice %arg6[%add3A_630, %dma_start3A_631] : memref<512x67xf32, #tpu.memory_space<vmem>> -> memref<1x67xf32, #tpu.memory_space<vmem>>
      %dma_start3A_633 = arith.constant 0 : i32
      %dma_start3A_634 = tpu.memref_slice %arg2[%squeeze3A_626, %dma_start3A_633] : memref<1000000x67xf32, #tpu.memory_space<hbm>> -> memref<1x67xf32, #tpu.memory_space<hbm>>
      %dma_start3A_635 = arith.constant 0 : i32
      %dma_start3A_636 = tpu.memref_slice %arg6[%add3A_630, %dma_start3A_635] : memref<512x67xf32, #tpu.memory_space<vmem>> -> memref<1x67xf32, #tpu.memory_space<vmem>>
      %dma_start3A_637 = arith.constant 0 : i32
      %dma_start3A_638 = tpu.memref_slice %arg2[%squeeze3A_626, %dma_start3A_637] : memref<1000000x67xf32, #tpu.memory_space<hbm>> -> memref<1x67xf32, #tpu.memory_space<hbm>>
      tpu.enqueue_dma source(%dma_start3A_638 : memref<1x67xf32, #tpu.memory_space<hbm>>) target(%dma_start3A_636 : memref<1x67xf32, #tpu.memory_space<vmem>>) target_semaphore(%arg7 : memref<!tpu.dma_semaphore, #tpu.memory_space<semaphore_mem>>)
      %slice3A_639 = vector.extract_strided_slice %get3A_624 {offsets = [1], sizes = [1], strides = [1]} : vector<16xi32> to vector<1xi32>
      %squeeze3A_640 = vector.extract %slice3A_639[0] : i32 from vector<1xi32>
      %add3A_641 = arith.constant 16 : i32
      %add3A_642 = arith.addi %mul3A_396, %add3A_641 : i32
      %add3A_643 = arith.constant 1 : i32
      %add3A_644 = arith.addi %add3A_642, %add3A_643 : i32
      %dma_start3A_645 = arith.constant 0 : i32
      %dma_start3A_646 = tpu.memref_slice %arg6[%add3A_644, %dma_start3A_645] : memref<512x67xf32, #tpu.memory_space<vmem>> -> memref<1x67xf32, #tpu.memory_space<vmem>>
      %dma_start3A_647 = arith.constant 0 : i32
      %dma_start3A_648 = tpu.memref_slice %arg2[%squeeze3A_640, %dma_start3A_647] : memref<1000000x67xf32, #tpu.memory_space<hbm>> -> memref<1x67xf32, #tpu.memory_space<hbm>>
      %dma_start3A_649 = arith.constant 0 : i32
      %dma_start3A_650 = tpu.memref_slice %arg6[%add3A_644, %dma_start3A_649] : memref<512x67xf32, #tpu.memory_space<vmem>> -> memref<1x67xf32, #tpu.memory_space<vmem>>
      %dma_start3A_651 = arith.constant 0 : i32
      %dma_start3A_652 = tpu.memref_slice %arg2[%squeeze3A_640, %dma_start3A_651] : memref<1000000x67xf32, #tpu.memory_space<hbm>> -> memref<1x67xf32, #tpu.memory_space<hbm>>
      tpu.enqueue_dma source(%dma_start3A_652 : memref<1x67xf32, #tpu.memory_space<hbm>>) target(%dma_start3A_650 : memref<1x67xf32, #tpu.memory_space<vmem>>) target_semaphore(%arg8 : memref<!tpu.dma_semaphore, #tpu.memory_space<semaphore_mem>>)
      %slice3A_653 = vector.extract_strided_slice %get3A_624 {offsets = [2], sizes = [1], strides = [1]} : vector<16xi32> to vector<1xi32>
      %squeeze3A_654 = vector.extract %slice3A_653[0] : i32 from vector<1xi32>
      %add3A_655 = arith.constant 16 : i32
      %add3A_656 = arith.addi %mul3A_396, %add3A_655 : i32
      %add3A_657 = arith.constant 2 : i32
      %add3A_658 = arith.addi %add3A_656, %add3A_657 : i32
      %dma_start3A_659 = arith.constant 0 : i32
      %dma_start3A_660 = tpu.memref_slice %arg6[%add3A_658, %dma_start3A_659] : memref<512x67xf32, #tpu.memory_space<vmem>> -> memref<1x67xf32, #tpu.memory_space<vmem>>
      %dma_start3A_661 = arith.constant 0 : i32
      %dma_start3A_662 = tpu.memref_slice %arg2[%squeeze3A_654, %dma_start3A_661] : memref<1000000x67xf32, #tpu.memory_space<hbm>> -> memref<1x67xf32, #tpu.memory_space<hbm>>
      %dma_start3A_663 = arith.constant 0 : i32
      %dma_start3A_664 = tpu.memref_slice %arg6[%add3A_658, %dma_start3A_663] : memref<512x67xf32, #tpu.memory_space<vmem>> -> memref<1x67xf32, #tpu.memory_space<vmem>>
      %dma_start3A_665 = arith.constant 0 : i32
      %dma_start3A_666 = tpu.memref_slice %arg2[%squeeze3A_654, %dma_start3A_665] : memref<1000000x67xf32, #tpu.memory_space<hbm>> -> memref<1x67xf32, #tpu.memory_space<hbm>>
      tpu.enqueue_dma source(%dma_start3A_666 : memref<1x67xf32, #tpu.memory_space<hbm>>) target(%dma_start3A_664 : memref<1x67xf32, #tpu.memory_space<vmem>>) target_semaphore(%arg9 : memref<!tpu.dma_semaphore, #tpu.memory_space<semaphore_mem>>)
      %slice3A_667 = vector.extract_strided_slice %get3A_624 {offsets = [3], sizes = [1], strides = [1]} : vector<16xi32> to vector<1xi32>
      %squeeze3A_668 = vector.extract %slice3A_667[0] : i32 from vector<1xi32>
      %add3A_669 = arith.constant 16 : i32
      %add3A_670 = arith.addi %mul3A_396, %add3A_669 : i32
      %add3A_671 = arith.constant 3 : i32
      %add3A_672 = arith.addi %add3A_670, %add3A_671 : i32
      %dma_start3A_673 = arith.constant 0 : i32
      %dma_start3A_674 = tpu.memref_slice %arg6[%add3A_672, %dma_start3A_673] : memref<512x67xf32, #tpu.memory_space<vmem>> -> memref<1x67xf32, #tpu.memory_space<vmem>>
      %dma_start3A_675 = arith.constant 0 : i32
      %dma_start3A_676 = tpu.memref_slice %arg2[%squeeze3A_668, %dma_start3A_675] : memref<1000000x67xf32, #tpu.memory_space<hbm>> -> memref<1x67xf32, #tpu.memory_space<hbm>>
      %dma_start3A_677 = arith.constant 0 : i32
      %dma_start3A_678 = tpu.memref_slice %arg6[%add3A_672, %dma_start3A_677] : memref<512x67xf32, #tpu.memory_space<vmem>> -> memref<1x67xf32, #tpu.memory_space<vmem>>
      %dma_start3A_679 = arith.constant 0 : i32
      %dma_start3A_680 = tpu.memref_slice %arg2[%squeeze3A_668, %dma_start3A_679] : memref<1000000x67xf32, #tpu.memory_space<hbm>> -> memref<1x67xf32, #tpu.memory_space<hbm>>
      tpu.enqueue_dma source(%dma_start3A_680 : memref<1x67xf32, #tpu.memory_space<hbm>>) target(%dma_start3A_678 : memref<1x67xf32, #tpu.memory_space<vmem>>) target_semaphore(%arg10 : memref<!tpu.dma_semaphore, #tpu.memory_space<semaphore_mem>>)
      %slice3A_681 = vector.extract_strided_slice %get3A_624 {offsets = [4], sizes = [1], strides = [1]} : vector<16xi32> to vector<1xi32>
      %squeeze3A_682 = vector.extract %slice3A_681[0] : i32 from vector<1xi32>
      %add3A_683 = arith.constant 16 : i32
      %add3A_684 = arith.addi %mul3A_396, %add3A_683 : i32
      %add3A_685 = arith.constant 4 : i32
      %add3A_686 = arith.addi %add3A_684, %add3A_685 : i32
      %dma_start3A_687 = arith.constant 0 : i32
      %dma_start3A_688 = tpu.memref_slice %arg6[%add3A_686, %dma_start3A_687] : memref<512x67xf32, #tpu.memory_space<vmem>> -> memref<1x67xf32, #tpu.memory_space<vmem>>
      %dma_start3A_689 = arith.constant 0 : i32
      %dma_start3A_690 = tpu.memref_slice %arg2[%squeeze3A_682, %dma_start3A_689] : memref<1000000x67xf32, #tpu.memory_space<hbm>> -> memref<1x67xf32, #tpu.memory_space<hbm>>
      %dma_start3A_691 = arith.constant 0 : i32
      %dma_start3A_692 = tpu.memref_slice %arg6[%add3A_686, %dma_start3A_691] : memref<512x67xf32, #tpu.memory_space<vmem>> -> memref<1x67xf32, #tpu.memory_space<vmem>>
      %dma_start3A_693 = arith.constant 0 : i32
      %dma_start3A_694 = tpu.memref_slice %arg2[%squeeze3A_682, %dma_start3A_693] : memref<1000000x67xf32, #tpu.memory_space<hbm>> -> memref<1x67xf32, #tpu.memory_space<hbm>>
      tpu.enqueue_dma source(%dma_start3A_694 : memref<1x67xf32, #tpu.memory_space<hbm>>) target(%dma_start3A_692 : memref<1x67xf32, #tpu.memory_space<vmem>>) target_semaphore(%arg7 : memref<!tpu.dma_semaphore, #tpu.memory_space<semaphore_mem>>)
      %slice3A_695 = vector.extract_strided_slice %get3A_624 {offsets = [5], sizes = [1], strides = [1]} : vector<16xi32> to vector<1xi32>
      %squeeze3A_696 = vector.extract %slice3A_695[0] : i32 from vector<1xi32>
      %add3A_697 = arith.constant 16 : i32
      %add3A_698 = arith.addi %mul3A_396, %add3A_697 : i32
      %add3A_699 = arith.constant 5 : i32
      %add3A_700 = arith.addi %add3A_698, %add3A_699 : i32
      %dma_start3A_701 = arith.constant 0 : i32
      %dma_start3A_702 = tpu.memref_slice %arg6[%add3A_700, %dma_start3A_701] : memref<512x67xf32, #tpu.memory_space<vmem>> -> memref<1x67xf32, #tpu.memory_space<vmem>>
      %dma_start3A_703 = arith.constant 0 : i32
      %dma_start3A_704 = tpu.memref_slice %arg2[%squeeze3A_696, %dma_start3A_703] : memref<1000000x67xf32, #tpu.memory_space<hbm>> -> memref<1x67xf32, #tpu.memory_space<hbm>>
      %dma_start3A_705 = arith.constant 0 : i32
      %dma_start3A_706 = tpu.memref_slice %arg6[%add3A_700, %dma_start3A_705] : memref<512x67xf32, #tpu.memory_space<vmem>> -> memref<1x67xf32, #tpu.memory_space<vmem>>
      %dma_start3A_707 = arith.constant 0 : i32
      %dma_start3A_708 = tpu.memref_slice %arg2[%squeeze3A_696, %dma_start3A_707] : memref<1000000x67xf32, #tpu.memory_space<hbm>> -> memref<1x67xf32, #tpu.memory_space<hbm>>
      tpu.enqueue_dma source(%dma_start3A_708 : memref<1x67xf32, #tpu.memory_space<hbm>>) target(%dma_start3A_706 : memref<1x67xf32, #tpu.memory_space<vmem>>) target_semaphore(%arg8 : memref<!tpu.dma_semaphore, #tpu.memory_space<semaphore_mem>>)
      %slice3A_709 = vector.extract_strided_slice %get3A_624 {offsets = [6], sizes = [1], strides = [1]} : vector<16xi32> to vector<1xi32>
      %squeeze3A_710 = vector.extract %slice3A_709[0] : i32 from vector<1xi32>
      %add3A_711 = arith.constant 16 : i32
      %add3A_712 = arith.addi %mul3A_396, %add3A_711 : i32
      %add3A_713 = arith.constant 6 : i32
      %add3A_714 = arith.addi %add3A_712, %add3A_713 : i32
      %dma_start3A_715 = arith.constant 0 : i32
      %dma_start3A_716 = tpu.memref_slice %arg6[%add3A_714, %dma_start3A_715] : memref<512x67xf32, #tpu.memory_space<vmem>> -> memref<1x67xf32, #tpu.memory_space<vmem>>
      %dma_start3A_717 = arith.constant 0 : i32
      %dma_start3A_718 = tpu.memref_slice %arg2[%squeeze3A_710, %dma_start3A_717] : memref<1000000x67xf32, #tpu.memory_space<hbm>> -> memref<1x67xf32, #tpu.memory_space<hbm>>
      %dma_start3A_719 = arith.constant 0 : i32
      %dma_start3A_720 = tpu.memref_slice %arg6[%add3A_714, %dma_start3A_719] : memref<512x67xf32, #tpu.memory_space<vmem>> -> memref<1x67xf32, #tpu.memory_space<vmem>>
      %dma_start3A_721 = arith.constant 0 : i32
      %dma_start3A_722 = tpu.memref_slice %arg2[%squeeze3A_710, %dma_start3A_721] : memref<1000000x67xf32, #tpu.memory_space<hbm>> -> memref<1x67xf32, #tpu.memory_space<hbm>>
      tpu.enqueue_dma source(%dma_start3A_722 : memref<1x67xf32, #tpu.memory_space<hbm>>) target(%dma_start3A_720 : memref<1x67xf32, #tpu.memory_space<vmem>>) target_semaphore(%arg9 : memref<!tpu.dma_semaphore, #tpu.memory_space<semaphore_mem>>)
      %slice3A_723 = vector.extract_strided_slice %get3A_624 {offsets = [7], sizes = [1], strides = [1]} : vector<16xi32> to vector<1xi32>
      %squeeze3A_724 = vector.extract %slice3A_723[0] : i32 from vector<1xi32>
      %add3A_725 = arith.constant 16 : i32
      %add3A_726 = arith.addi %mul3A_396, %add3A_725 : i32
      %add3A_727 = arith.constant 7 : i32
      %add3A_728 = arith.addi %add3A_726, %add3A_727 : i32
      %dma_start3A_729 = arith.constant 0 : i32
      %dma_start3A_730 = tpu.memref_slice %arg6[%add3A_728, %dma_start3A_729] : memref<512x67xf32, #tpu.memory_space<vmem>> -> memref<1x67xf32, #tpu.memory_space<vmem>>
      %dma_start3A_731 = arith.constant 0 : i32
      %dma_start3A_732 = tpu.memref_slice %arg2[%squeeze3A_724, %dma_start3A_731] : memref<1000000x67xf32, #tpu.memory_space<hbm>> -> memref<1x67xf32, #tpu.memory_space<hbm>>
      %dma_start3A_733 = arith.constant 0 : i32
      %dma_start3A_734 = tpu.memref_slice %arg6[%add3A_728, %dma_start3A_733] : memref<512x67xf32, #tpu.memory_space<vmem>> -> memref<1x67xf32, #tpu.memory_space<vmem>>
      %dma_start3A_735 = arith.constant 0 : i32
      %dma_start3A_736 = tpu.memref_slice %arg2[%squeeze3A_724, %dma_start3A_735] : memref<1000000x67xf32, #tpu.memory_space<hbm>> -> memref<1x67xf32, #tpu.memory_space<hbm>>
      tpu.enqueue_dma source(%dma_start3A_736 : memref<1x67xf32, #tpu.memory_space<hbm>>) target(%dma_start3A_734 : memref<1x67xf32, #tpu.memory_space<vmem>>) target_semaphore(%arg10 : memref<!tpu.dma_semaphore, #tpu.memory_space<semaphore_mem>>)
      %slice3A_737 = vector.extract_strided_slice %get3A_624 {offsets = [8], sizes = [1], strides = [1]} : vector<16xi32> to vector<1xi32>
      %squeeze3A_738 = vector.extract %slice3A_737[0] : i32 from vector<1xi32>
      %add3A_739 = arith.constant 16 : i32
      %add3A_740 = arith.addi %mul3A_396, %add3A_739 : i32
      %add3A_741 = arith.constant 8 : i32
      %add3A_742 = arith.addi %add3A_740, %add3A_741 : i32
      %dma_start3A_743 = arith.constant 0 : i32
      %dma_start3A_744 = tpu.memref_slice %arg6[%add3A_742, %dma_start3A_743] : memref<512x67xf32, #tpu.memory_space<vmem>> -> memref<1x67xf32, #tpu.memory_space<vmem>>
      %dma_start3A_745 = arith.constant 0 : i32
      %dma_start3A_746 = tpu.memref_slice %arg2[%squeeze3A_738, %dma_start3A_745] : memref<1000000x67xf32, #tpu.memory_space<hbm>> -> memref<1x67xf32, #tpu.memory_space<hbm>>
      %dma_start3A_747 = arith.constant 0 : i32
      %dma_start3A_748 = tpu.memref_slice %arg6[%add3A_742, %dma_start3A_747] : memref<512x67xf32, #tpu.memory_space<vmem>> -> memref<1x67xf32, #tpu.memory_space<vmem>>
      %dma_start3A_749 = arith.constant 0 : i32
      %dma_start3A_750 = tpu.memref_slice %arg2[%squeeze3A_738, %dma_start3A_749] : memref<1000000x67xf32, #tpu.memory_space<hbm>> -> memref<1x67xf32, #tpu.memory_space<hbm>>
      tpu.enqueue_dma source(%dma_start3A_750 : memref<1x67xf32, #tpu.memory_space<hbm>>) target(%dma_start3A_748 : memref<1x67xf32, #tpu.memory_space<vmem>>) target_semaphore(%arg7 : memref<!tpu.dma_semaphore, #tpu.memory_space<semaphore_mem>>)
      %slice3A_751 = vector.extract_strided_slice %get3A_624 {offsets = [9], sizes = [1], strides = [1]} : vector<16xi32> to vector<1xi32>
      %squeeze3A_752 = vector.extract %slice3A_751[0] : i32 from vector<1xi32>
      %add3A_753 = arith.constant 16 : i32
      %add3A_754 = arith.addi %mul3A_396, %add3A_753 : i32
      %add3A_755 = arith.constant 9 : i32
      %add3A_756 = arith.addi %add3A_754, %add3A_755 : i32
      %dma_start3A_757 = arith.constant 0 : i32
      %dma_start3A_758 = tpu.memref_slice %arg6[%add3A_756, %dma_start3A_757] : memref<512x67xf32, #tpu.memory_space<vmem>> -> memref<1x67xf32, #tpu.memory_space<vmem>>
      %dma_start3A_759 = arith.constant 0 : i32
      %dma_start3A_760 = tpu.memref_slice %arg2[%squeeze3A_752, %dma_start3A_759] : memref<1000000x67xf32, #tpu.memory_space<hbm>> -> memref<1x67xf32, #tpu.memory_space<hbm>>
      %dma_start3A_761 = arith.constant 0 : i32
      %dma_start3A_762 = tpu.memref_slice %arg6[%add3A_756, %dma_start3A_761] : memref<512x67xf32, #tpu.memory_space<vmem>> -> memref<1x67xf32, #tpu.memory_space<vmem>>
      %dma_start3A_763 = arith.constant 0 : i32
      %dma_start3A_764 = tpu.memref_slice %arg2[%squeeze3A_752, %dma_start3A_763] : memref<1000000x67xf32, #tpu.memory_space<hbm>> -> memref<1x67xf32, #tpu.memory_space<hbm>>
      tpu.enqueue_dma source(%dma_start3A_764 : memref<1x67xf32, #tpu.memory_space<hbm>>) target(%dma_start3A_762 : memref<1x67xf32, #tpu.memory_space<vmem>>) target_semaphore(%arg8 : memref<!tpu.dma_semaphore, #tpu.memory_space<semaphore_mem>>)
      %slice3A_765 = vector.extract_strided_slice %get3A_624 {offsets = [10], sizes = [1], strides = [1]} : vector<16xi32> to vector<1xi32>
      %squeeze3A_766 = vector.extract %slice3A_765[0] : i32 from vector<1xi32>
      %add3A_767 = arith.constant 16 : i32
      %add3A_768 = arith.addi %mul3A_396, %add3A_767 : i32
      %add3A_769 = arith.constant 10 : i32
      %add3A_770 = arith.addi %add3A_768, %add3A_769 : i32
      %dma_start3A_771 = arith.constant 0 : i32
      %dma_start3A_772 = tpu.memref_slice %arg6[%add3A_770, %dma_start3A_771] : memref<512x67xf32, #tpu.memory_space<vmem>> -> memref<1x67xf32, #tpu.memory_space<vmem>>
      %dma_start3A_773 = arith.constant 0 : i32
      %dma_start3A_774 = tpu.memref_slice %arg2[%squeeze3A_766, %dma_start3A_773] : memref<1000000x67xf32, #tpu.memory_space<hbm>> -> memref<1x67xf32, #tpu.memory_space<hbm>>
      %dma_start3A_775 = arith.constant 0 : i32
      %dma_start3A_776 = tpu.memref_slice %arg6[%add3A_770, %dma_start3A_775] : memref<512x67xf32, #tpu.memory_space<vmem>> -> memref<1x67xf32, #tpu.memory_space<vmem>>
      %dma_start3A_777 = arith.constant 0 : i32
      %dma_start3A_778 = tpu.memref_slice %arg2[%squeeze3A_766, %dma_start3A_777] : memref<1000000x67xf32, #tpu.memory_space<hbm>> -> memref<1x67xf32, #tpu.memory_space<hbm>>
      tpu.enqueue_dma source(%dma_start3A_778 : memref<1x67xf32, #tpu.memory_space<hbm>>) target(%dma_start3A_776 : memref<1x67xf32, #tpu.memory_space<vmem>>) target_semaphore(%arg9 : memref<!tpu.dma_semaphore, #tpu.memory_space<semaphore_mem>>)
      %slice3A_779 = vector.extract_strided_slice %get3A_624 {offsets = [11], sizes = [1], strides = [1]} : vector<16xi32> to vector<1xi32>
      %squeeze3A_780 = vector.extract %slice3A_779[0] : i32 from vector<1xi32>
      %add3A_781 = arith.constant 16 : i32
      %add3A_782 = arith.addi %mul3A_396, %add3A_781 : i32
      %add3A_783 = arith.constant 11 : i32
      %add3A_784 = arith.addi %add3A_782, %add3A_783 : i32
      %dma_start3A_785 = arith.constant 0 : i32
      %dma_start3A_786 = tpu.memref_slice %arg6[%add3A_784, %dma_start3A_785] : memref<512x67xf32, #tpu.memory_space<vmem>> -> memref<1x67xf32, #tpu.memory_space<vmem>>
      %dma_start3A_787 = arith.constant 0 : i32
      %dma_start3A_788 = tpu.memref_slice %arg2[%squeeze3A_780, %dma_start3A_787] : memref<1000000x67xf32, #tpu.memory_space<hbm>> -> memref<1x67xf32, #tpu.memory_space<hbm>>
      %dma_start3A_789 = arith.constant 0 : i32
      %dma_start3A_790 = tpu.memref_slice %arg6[%add3A_784, %dma_start3A_789] : memref<512x67xf32, #tpu.memory_space<vmem>> -> memref<1x67xf32, #tpu.memory_space<vmem>>
      %dma_start3A_791 = arith.constant 0 : i32
      %dma_start3A_792 = tpu.memref_slice %arg2[%squeeze3A_780, %dma_start3A_791] : memref<1000000x67xf32, #tpu.memory_space<hbm>> -> memref<1x67xf32, #tpu.memory_space<hbm>>
      tpu.enqueue_dma source(%dma_start3A_792 : memref<1x67xf32, #tpu.memory_space<hbm>>) target(%dma_start3A_790 : memref<1x67xf32, #tpu.memory_space<vmem>>) target_semaphore(%arg10 : memref<!tpu.dma_semaphore, #tpu.memory_space<semaphore_mem>>)
      %slice3A_793 = vector.extract_strided_slice %get3A_624 {offsets = [12], sizes = [1], strides = [1]} : vector<16xi32> to vector<1xi32>
      %squeeze3A_794 = vector.extract %slice3A_793[0] : i32 from vector<1xi32>
      %add3A_795 = arith.constant 16 : i32
      %add3A_796 = arith.addi %mul3A_396, %add3A_795 : i32
      %add3A_797 = arith.constant 12 : i32
      %add3A_798 = arith.addi %add3A_796, %add3A_797 : i32
      %dma_start3A_799 = arith.constant 0 : i32
      %dma_start3A_800 = tpu.memref_slice %arg6[%add3A_798, %dma_start3A_799] : memref<512x67xf32, #tpu.memory_space<vmem>> -> memref<1x67xf32, #tpu.memory_space<vmem>>
      %dma_start3A_801 = arith.constant 0 : i32
      %dma_start3A_802 = tpu.memref_slice %arg2[%squeeze3A_794, %dma_start3A_801] : memref<1000000x67xf32, #tpu.memory_space<hbm>> -> memref<1x67xf32, #tpu.memory_space<hbm>>
      %dma_start3A_803 = arith.constant 0 : i32
      %dma_start3A_804 = tpu.memref_slice %arg6[%add3A_798, %dma_start3A_803] : memref<512x67xf32, #tpu.memory_space<vmem>> -> memref<1x67xf32, #tpu.memory_space<vmem>>
      %dma_start3A_805 = arith.constant 0 : i32
      %dma_start3A_806 = tpu.memref_slice %arg2[%squeeze3A_794, %dma_start3A_805] : memref<1000000x67xf32, #tpu.memory_space<hbm>> -> memref<1x67xf32, #tpu.memory_space<hbm>>
      tpu.enqueue_dma source(%dma_start3A_806 : memref<1x67xf32, #tpu.memory_space<hbm>>) target(%dma_start3A_804 : memref<1x67xf32, #tpu.memory_space<vmem>>) target_semaphore(%arg7 : memref<!tpu.dma_semaphore, #tpu.memory_space<semaphore_mem>>)
      %slice3A_807 = vector.extract_strided_slice %get3A_624 {offsets = [13], sizes = [1], strides = [1]} : vector<16xi32> to vector<1xi32>
      %squeeze3A_808 = vector.extract %slice3A_807[0] : i32 from vector<1xi32>
      %add3A_809 = arith.constant 16 : i32
      %add3A_810 = arith.addi %mul3A_396, %add3A_809 : i32
      %add3A_811 = arith.constant 13 : i32
      %add3A_812 = arith.addi %add3A_810, %add3A_811 : i32
      %dma_start3A_813 = arith.constant 0 : i32
      %dma_start3A_814 = tpu.memref_slice %arg6[%add3A_812, %dma_start3A_813] : memref<512x67xf32, #tpu.memory_space<vmem>> -> memref<1x67xf32, #tpu.memory_space<vmem>>
      %dma_start3A_815 = arith.constant 0 : i32
      %dma_start3A_816 = tpu.memref_slice %arg2[%squeeze3A_808, %dma_start3A_815] : memref<1000000x67xf32, #tpu.memory_space<hbm>> -> memref<1x67xf32, #tpu.memory_space<hbm>>
      %dma_start3A_817 = arith.constant 0 : i32
      %dma_start3A_818 = tpu.memref_slice %arg6[%add3A_812, %dma_start3A_817] : memref<512x67xf32, #tpu.memory_space<vmem>> -> memref<1x67xf32, #tpu.memory_space<vmem>>
      %dma_start3A_819 = arith.constant 0 : i32
      %dma_start3A_820 = tpu.memref_slice %arg2[%squeeze3A_808, %dma_start3A_819] : memref<1000000x67xf32, #tpu.memory_space<hbm>> -> memref<1x67xf32, #tpu.memory_space<hbm>>
      tpu.enqueue_dma source(%dma_start3A_820 : memref<1x67xf32, #tpu.memory_space<hbm>>) target(%dma_start3A_818 : memref<1x67xf32, #tpu.memory_space<vmem>>) target_semaphore(%arg8 : memref<!tpu.dma_semaphore, #tpu.memory_space<semaphore_mem>>)
      %slice3A_821 = vector.extract_strided_slice %get3A_624 {offsets = [14], sizes = [1], strides = [1]} : vector<16xi32> to vector<1xi32>
      %squeeze3A_822 = vector.extract %slice3A_821[0] : i32 from vector<1xi32>
      %add3A_823 = arith.constant 16 : i32
      %add3A_824 = arith.addi %mul3A_396, %add3A_823 : i32
      %add3A_825 = arith.constant 14 : i32
      %add3A_826 = arith.addi %add3A_824, %add3A_825 : i32
      %dma_start3A_827 = arith.constant 0 : i32
      %dma_start3A_828 = tpu.memref_slice %arg6[%add3A_826, %dma_start3A_827] : memref<512x67xf32, #tpu.memory_space<vmem>> -> memref<1x67xf32, #tpu.memory_space<vmem>>
      %dma_start3A_829 = arith.constant 0 : i32
      %dma_start3A_830 = tpu.memref_slice %arg2[%squeeze3A_822, %dma_start3A_829] : memref<1000000x67xf32, #tpu.memory_space<hbm>> -> memref<1x67xf32, #tpu.memory_space<hbm>>
      %dma_start3A_831 = arith.constant 0 : i32
      %dma_start3A_832 = tpu.memref_slice %arg6[%add3A_826, %dma_start3A_831] : memref<512x67xf32, #tpu.memory_space<vmem>> -> memref<1x67xf32, #tpu.memory_space<vmem>>
      %dma_start3A_833 = arith.constant 0 : i32
      %dma_start3A_834 = tpu.memref_slice %arg2[%squeeze3A_822, %dma_start3A_833] : memref<1000000x67xf32, #tpu.memory_space<hbm>> -> memref<1x67xf32, #tpu.memory_space<hbm>>
      tpu.enqueue_dma source(%dma_start3A_834 : memref<1x67xf32, #tpu.memory_space<hbm>>) target(%dma_start3A_832 : memref<1x67xf32, #tpu.memory_space<vmem>>) target_semaphore(%arg9 : memref<!tpu.dma_semaphore, #tpu.memory_space<semaphore_mem>>)
      %slice3A_835 = vector.extract_strided_slice %get3A_624 {offsets = [15], sizes = [1], strides = [1]} : vector<16xi32> to vector<1xi32>
      %squeeze3A_836 = vector.extract %slice3A_835[0] : i32 from vector<1xi32>
      %add3A_837 = arith.constant 16 : i32
      %add3A_838 = arith.addi %mul3A_396, %add3A_837 : i32
      %add3A_839 = arith.constant 15 : i32
      %add3A_840 = arith.addi %add3A_838, %add3A_839 : i32
      %dma_start3A_841 = arith.constant 0 : i32
      %dma_start3A_842 = tpu.memref_slice %arg6[%add3A_840, %dma_start3A_841] : memref<512x67xf32, #tpu.memory_space<vmem>> -> memref<1x67xf32, #tpu.memory_space<vmem>>
      %dma_start3A_843 = arith.constant 0 : i32
      %dma_start3A_844 = tpu.memref_slice %arg2[%squeeze3A_836, %dma_start3A_843] : memref<1000000x67xf32, #tpu.memory_space<hbm>> -> memref<1x67xf32, #tpu.memory_space<hbm>>
      %dma_start3A_845 = arith.constant 0 : i32
      %dma_start3A_846 = tpu.memref_slice %arg6[%add3A_840, %dma_start3A_845] : memref<512x67xf32, #tpu.memory_space<vmem>> -> memref<1x67xf32, #tpu.memory_space<vmem>>
      %dma_start3A_847 = arith.constant 0 : i32
      %dma_start3A_848 = tpu.memref_slice %arg2[%squeeze3A_836, %dma_start3A_847] : memref<1000000x67xf32, #tpu.memory_space<hbm>> -> memref<1x67xf32, #tpu.memory_space<hbm>>
      tpu.enqueue_dma source(%dma_start3A_848 : memref<1x67xf32, #tpu.memory_space<hbm>>) target(%dma_start3A_846 : memref<1x67xf32, #tpu.memory_space<vmem>>) target_semaphore(%arg10 : memref<!tpu.dma_semaphore, #tpu.memory_space<semaphore_mem>>)
      %gt3A = arith.constant 0 : i32
      %gt3A_849 = arith.cmpi sgt, %add3A_394, %gt3A : i32
      %convert_element_type3A = arith.extui %gt3A_849 : i1 to i32
      %cond3A = arith.constant 0 : i32
      %cond3A_850 = arith.cmpi ne, %convert_element_type3A, %cond3A : i32
      scf.if %cond3A_850 {
        %dma_wait3A_851 = arith.constant 0 : i32
        %dma_wait3A_852 = arith.constant 0 : i32
        %dma_wait3A_853 = tpu.memref_slice %arg6[%dma_wait3A_851, %dma_wait3A_852] : memref<512x67xf32, #tpu.memory_space<vmem>> -> memref<1x67xf32, #tpu.memory_space<vmem>>
        %dma_wait3A_854 = arith.constant 0 : i32
        %dma_wait3A_855 = arith.constant 0 : i32
        %dma_wait3A_856 = tpu.memref_slice %arg2[%dma_wait3A_854, %dma_wait3A_855] : memref<1000000x67xf32, #tpu.memory_space<hbm>> -> memref<1x67xf32, #tpu.memory_space<hbm>>
        %dma_wait3A_857 = arith.constant 0 : i32
        %dma_wait3A_858 = arith.constant 0 : i32
        %dma_wait3A_859 = tpu.memref_slice %arg6[%dma_wait3A_857, %dma_wait3A_858] : memref<512x67xf32, #tpu.memory_space<vmem>> -> memref<1x67xf32, #tpu.memory_space<vmem>>
        %dma_wait3A_860 = arith.constant 0 : i32
        %dma_wait3A_861 = arith.constant 0 : i32
        %dma_wait3A_862 = tpu.memref_slice %arg2[%dma_wait3A_860, %dma_wait3A_861] : memref<1000000x67xf32, #tpu.memory_space<hbm>> -> memref<1x67xf32, #tpu.memory_space<hbm>>
        tpu.wait_dma2 semaphore(%arg7 : memref<!tpu.dma_semaphore, #tpu.memory_space<semaphore_mem>>) src(%dma_wait3A_862 : memref<1x67xf32, #tpu.memory_space<hbm>>) dst(%dma_wait3A_859 : memref<1x67xf32, #tpu.memory_space<vmem>>)
        %dma_wait3A_863 = arith.constant 0 : i32
        %dma_wait3A_864 = arith.constant 0 : i32
        %dma_wait3A_865 = tpu.memref_slice %arg6[%dma_wait3A_863, %dma_wait3A_864] : memref<512x67xf32, #tpu.memory_space<vmem>> -> memref<1x67xf32, #tpu.memory_space<vmem>>
        %dma_wait3A_866 = arith.constant 0 : i32
        %dma_wait3A_867 = arith.constant 0 : i32
        %dma_wait3A_868 = tpu.memref_slice %arg2[%dma_wait3A_866, %dma_wait3A_867] : memref<1000000x67xf32, #tpu.memory_space<hbm>> -> memref<1x67xf32, #tpu.memory_space<hbm>>
        %dma_wait3A_869 = arith.constant 0 : i32
        %dma_wait3A_870 = arith.constant 0 : i32
        %dma_wait3A_871 = tpu.memref_slice %arg6[%dma_wait3A_869, %dma_wait3A_870] : memref<512x67xf32, #tpu.memory_space<vmem>> -> memref<1x67xf32, #tpu.memory_space<vmem>>
        %dma_wait3A_872 = arith.constant 0 : i32
        %dma_wait3A_873 = arith.constant 0 : i32
        %dma_wait3A_874 = tpu.memref_slice %arg2[%dma_wait3A_872, %dma_wait3A_873] : memref<1000000x67xf32, #tpu.memory_space<hbm>> -> memref<1x67xf32, #tpu.memory_space<hbm>>
        tpu.wait_dma2 semaphore(%arg8 : memref<!tpu.dma_semaphore, #tpu.memory_space<semaphore_mem>>) src(%dma_wait3A_874 : memref<1x67xf32, #tpu.memory_space<hbm>>) dst(%dma_wait3A_871 : memref<1x67xf32, #tpu.memory_space<vmem>>)
        %dma_wait3A_875 = arith.constant 0 : i32
        %dma_wait3A_876 = arith.constant 0 : i32
        %dma_wait3A_877 = tpu.memref_slice %arg6[%dma_wait3A_875, %dma_wait3A_876] : memref<512x67xf32, #tpu.memory_space<vmem>> -> memref<1x67xf32, #tpu.memory_space<vmem>>
        %dma_wait3A_878 = arith.constant 0 : i32
        %dma_wait3A_879 = arith.constant 0 : i32
        %dma_wait3A_880 = tpu.memref_slice %arg2[%dma_wait3A_878, %dma_wait3A_879] : memref<1000000x67xf32, #tpu.memory_space<hbm>> -> memref<1x67xf32, #tpu.memory_space<hbm>>
        %dma_wait3A_881 = arith.constant 0 : i32
        %dma_wait3A_882 = arith.constant 0 : i32
        %dma_wait3A_883 = tpu.memref_slice %arg6[%dma_wait3A_881, %dma_wait3A_882] : memref<512x67xf32, #tpu.memory_space<vmem>> -> memref<1x67xf32, #tpu.memory_space<vmem>>
        %dma_wait3A_884 = arith.constant 0 : i32
        %dma_wait3A_885 = arith.constant 0 : i32
        %dma_wait3A_886 = tpu.memref_slice %arg2[%dma_wait3A_884, %dma_wait3A_885] : memref<1000000x67xf32, #tpu.memory_space<hbm>> -> memref<1x67xf32, #tpu.memory_space<hbm>>
        tpu.wait_dma2 semaphore(%arg9 : memref<!tpu.dma_semaphore, #tpu.memory_space<semaphore_mem>>) src(%dma_wait3A_886 : memref<1x67xf32, #tpu.memory_space<hbm>>) dst(%dma_wait3A_883 : memref<1x67xf32, #tpu.memory_space<vmem>>)
        %dma_wait3A_887 = arith.constant 0 : i32
        %dma_wait3A_888 = arith.constant 0 : i32
        %dma_wait3A_889 = tpu.memref_slice %arg6[%dma_wait3A_887, %dma_wait3A_888] : memref<512x67xf32, #tpu.memory_space<vmem>> -> memref<1x67xf32, #tpu.memory_space<vmem>>
        %dma_wait3A_890 = arith.constant 0 : i32
        %dma_wait3A_891 = arith.constant 0 : i32
        %dma_wait3A_892 = tpu.memref_slice %arg2[%dma_wait3A_890, %dma_wait3A_891] : memref<1000000x67xf32, #tpu.memory_space<hbm>> -> memref<1x67xf32, #tpu.memory_space<hbm>>
        %dma_wait3A_893 = arith.constant 0 : i32
        %dma_wait3A_894 = arith.constant 0 : i32
        %dma_wait3A_895 = tpu.memref_slice %arg6[%dma_wait3A_893, %dma_wait3A_894] : memref<512x67xf32, #tpu.memory_space<vmem>> -> memref<1x67xf32, #tpu.memory_space<vmem>>
        %dma_wait3A_896 = arith.constant 0 : i32
        %dma_wait3A_897 = arith.constant 0 : i32
        %dma_wait3A_898 = tpu.memref_slice %arg2[%dma_wait3A_896, %dma_wait3A_897] : memref<1000000x67xf32, #tpu.memory_space<hbm>> -> memref<1x67xf32, #tpu.memory_space<hbm>>
        tpu.wait_dma2 semaphore(%arg10 : memref<!tpu.dma_semaphore, #tpu.memory_space<semaphore_mem>>) src(%dma_wait3A_898 : memref<1x67xf32, #tpu.memory_space<hbm>>) dst(%dma_wait3A_895 : memref<1x67xf32, #tpu.memory_space<vmem>>)
        %dma_wait3A_899 = arith.constant 0 : i32
        %dma_wait3A_900 = arith.constant 0 : i32
        %dma_wait3A_901 = tpu.memref_slice %arg6[%dma_wait3A_899, %dma_wait3A_900] : memref<512x67xf32, #tpu.memory_space<vmem>> -> memref<1x67xf32, #tpu.memory_space<vmem>>
        %dma_wait3A_902 = arith.constant 0 : i32
        %dma_wait3A_903 = arith.constant 0 : i32
        %dma_wait3A_904 = tpu.memref_slice %arg2[%dma_wait3A_902, %dma_wait3A_903] : memref<1000000x67xf32, #tpu.memory_space<hbm>> -> memref<1x67xf32, #tpu.memory_space<hbm>>
        %dma_wait3A_905 = arith.constant 0 : i32
        %dma_wait3A_906 = arith.constant 0 : i32
        %dma_wait3A_907 = tpu.memref_slice %arg6[%dma_wait3A_905, %dma_wait3A_906] : memref<512x67xf32, #tpu.memory_space<vmem>> -> memref<1x67xf32, #tpu.memory_space<vmem>>
        %dma_wait3A_908 = arith.constant 0 : i32
        %dma_wait3A_909 = arith.constant 0 : i32
        %dma_wait3A_910 = tpu.memref_slice %arg2[%dma_wait3A_908, %dma_wait3A_909] : memref<1000000x67xf32, #tpu.memory_space<hbm>> -> memref<1x67xf32, #tpu.memory_space<hbm>>
        tpu.wait_dma2 semaphore(%arg7 : memref<!tpu.dma_semaphore, #tpu.memory_space<semaphore_mem>>) src(%dma_wait3A_910 : memref<1x67xf32, #tpu.memory_space<hbm>>) dst(%dma_wait3A_907 : memref<1x67xf32, #tpu.memory_space<vmem>>)
        %dma_wait3A_911 = arith.constant 0 : i32
        %dma_wait3A_912 = arith.constant 0 : i32
        %dma_wait3A_913 = tpu.memref_slice %arg6[%dma_wait3A_911, %dma_wait3A_912] : memref<512x67xf32, #tpu.memory_space<vmem>> -> memref<1x67xf32, #tpu.memory_space<vmem>>
        %dma_wait3A_914 = arith.constant 0 : i32
        %dma_wait3A_915 = arith.constant 0 : i32
        %dma_wait3A_916 = tpu.memref_slice %arg2[%dma_wait3A_914, %dma_wait3A_915] : memref<1000000x67xf32, #tpu.memory_space<hbm>> -> memref<1x67xf32, #tpu.memory_space<hbm>>
        %dma_wait3A_917 = arith.constant 0 : i32
        %dma_wait3A_918 = arith.constant 0 : i32
        %dma_wait3A_919 = tpu.memref_slice %arg6[%dma_wait3A_917, %dma_wait3A_918] : memref<512x67xf32, #tpu.memory_space<vmem>> -> memref<1x67xf32, #tpu.memory_space<vmem>>
        %dma_wait3A_920 = arith.constant 0 : i32
        %dma_wait3A_921 = arith.constant 0 : i32
        %dma_wait3A_922 = tpu.memref_slice %arg2[%dma_wait3A_920, %dma_wait3A_921] : memref<1000000x67xf32, #tpu.memory_space<hbm>> -> memref<1x67xf32, #tpu.memory_space<hbm>>
        tpu.wait_dma2 semaphore(%arg8 : memref<!tpu.dma_semaphore, #tpu.memory_space<semaphore_mem>>) src(%dma_wait3A_922 : memref<1x67xf32, #tpu.memory_space<hbm>>) dst(%dma_wait3A_919 : memref<1x67xf32, #tpu.memory_space<vmem>>)
        %dma_wait3A_923 = arith.constant 0 : i32
        %dma_wait3A_924 = arith.constant 0 : i32
        %dma_wait3A_925 = tpu.memref_slice %arg6[%dma_wait3A_923, %dma_wait3A_924] : memref<512x67xf32, #tpu.memory_space<vmem>> -> memref<1x67xf32, #tpu.memory_space<vmem>>
        %dma_wait3A_926 = arith.constant 0 : i32
        %dma_wait3A_927 = arith.constant 0 : i32
        %dma_wait3A_928 = tpu.memref_slice %arg2[%dma_wait3A_926, %dma_wait3A_927] : memref<1000000x67xf32, #tpu.memory_space<hbm>> -> memref<1x67xf32, #tpu.memory_space<hbm>>
        %dma_wait3A_929 = arith.constant 0 : i32
        %dma_wait3A_930 = arith.constant 0 : i32
        %dma_wait3A_931 = tpu.memref_slice %arg6[%dma_wait3A_929, %dma_wait3A_930] : memref<512x67xf32, #tpu.memory_space<vmem>> -> memref<1x67xf32, #tpu.memory_space<vmem>>
        %dma_wait3A_932 = arith.constant 0 : i32
        %dma_wait3A_933 = arith.constant 0 : i32
        %dma_wait3A_934 = tpu.memref_slice %arg2[%dma_wait3A_932, %dma_wait3A_933] : memref<1000000x67xf32, #tpu.memory_space<hbm>> -> memref<1x67xf32, #tpu.memory_space<hbm>>
        tpu.wait_dma2 semaphore(%arg9 : memref<!tpu.dma_semaphore, #tpu.memory_space<semaphore_mem>>) src(%dma_wait3A_934 : memref<1x67xf32, #tpu.memory_space<hbm>>) dst(%dma_wait3A_931 : memref<1x67xf32, #tpu.memory_space<vmem>>)
        %dma_wait3A_935 = arith.constant 0 : i32
        %dma_wait3A_936 = arith.constant 0 : i32
        %dma_wait3A_937 = tpu.memref_slice %arg6[%dma_wait3A_935, %dma_wait3A_936] : memref<512x67xf32, #tpu.memory_space<vmem>> -> memref<1x67xf32, #tpu.memory_space<vmem>>
        %dma_wait3A_938 = arith.constant 0 : i32
        %dma_wait3A_939 = arith.constant 0 : i32
        %dma_wait3A_940 = tpu.memref_slice %arg2[%dma_wait3A_938, %dma_wait3A_939] : memref<1000000x67xf32, #tpu.memory_space<hbm>> -> memref<1x67xf32, #tpu.memory_space<hbm>>
        %dma_wait3A_941 = arith.constant 0 : i32
        %dma_wait3A_942 = arith.constant 0 : i32
        %dma_wait3A_943 = tpu.memref_slice %arg6[%dma_wait3A_941, %dma_wait3A_942] : memref<512x67xf32, #tpu.memory_space<vmem>> -> memref<1x67xf32, #tpu.memory_space<vmem>>
        %dma_wait3A_944 = arith.constant 0 : i32
        %dma_wait3A_945 = arith.constant 0 : i32
        %dma_wait3A_946 = tpu.memref_slice %arg2[%dma_wait3A_944, %dma_wait3A_945] : memref<1000000x67xf32, #tpu.memory_space<hbm>> -> memref<1x67xf32, #tpu.memory_space<hbm>>
        tpu.wait_dma2 semaphore(%arg10 : memref<!tpu.dma_semaphore, #tpu.memory_space<semaphore_mem>>) src(%dma_wait3A_946 : memref<1x67xf32, #tpu.memory_space<hbm>>) dst(%dma_wait3A_943 : memref<1x67xf32, #tpu.memory_space<vmem>>)
        %dma_wait3A_947 = arith.constant 0 : i32
        %dma_wait3A_948 = arith.constant 0 : i32
        %dma_wait3A_949 = tpu.memref_slice %arg6[%dma_wait3A_947, %dma_wait3A_948] : memref<512x67xf32, #tpu.memory_space<vmem>> -> memref<1x67xf32, #tpu.memory_space<vmem>>
        %dma_wait3A_950 = arith.constant 0 : i32
        %dma_wait3A_951 = arith.constant 0 : i32
        %dma_wait3A_952 = tpu.memref_slice %arg2[%dma_wait3A_950, %dma_wait3A_951] : memref<1000000x67xf32, #tpu.memory_space<hbm>> -> memref<1x67xf32, #tpu.memory_space<hbm>>
        %dma_wait3A_953 = arith.constant 0 : i32
        %dma_wait3A_954 = arith.constant 0 : i32
        %dma_wait3A_955 = tpu.memref_slice %arg6[%dma_wait3A_953, %dma_wait3A_954] : memref<512x67xf32, #tpu.memory_space<vmem>> -> memref<1x67xf32, #tpu.memory_space<vmem>>
        %dma_wait3A_956 = arith.constant 0 : i32
        %dma_wait3A_957 = arith.constant 0 : i32
        %dma_wait3A_958 = tpu.memref_slice %arg2[%dma_wait3A_956, %dma_wait3A_957] : memref<1000000x67xf32, #tpu.memory_space<hbm>> -> memref<1x67xf32, #tpu.memory_space<hbm>>
        tpu.wait_dma2 semaphore(%arg7 : memref<!tpu.dma_semaphore, #tpu.memory_space<semaphore_mem>>) src(%dma_wait3A_958 : memref<1x67xf32, #tpu.memory_space<hbm>>) dst(%dma_wait3A_955 : memref<1x67xf32, #tpu.memory_space<vmem>>)
        %dma_wait3A_959 = arith.constant 0 : i32
        %dma_wait3A_960 = arith.constant 0 : i32
        %dma_wait3A_961 = tpu.memref_slice %arg6[%dma_wait3A_959, %dma_wait3A_960] : memref<512x67xf32, #tpu.memory_space<vmem>> -> memref<1x67xf32, #tpu.memory_space<vmem>>
        %dma_wait3A_962 = arith.constant 0 : i32
        %dma_wait3A_963 = arith.constant 0 : i32
        %dma_wait3A_964 = tpu.memref_slice %arg2[%dma_wait3A_962, %dma_wait3A_963] : memref<1000000x67xf32, #tpu.memory_space<hbm>> -> memref<1x67xf32, #tpu.memory_space<hbm>>
        %dma_wait3A_965 = arith.constant 0 : i32
        %dma_wait3A_966 = arith.constant 0 : i32
        %dma_wait3A_967 = tpu.memref_slice %arg6[%dma_wait3A_965, %dma_wait3A_966] : memref<512x67xf32, #tpu.memory_space<vmem>> -> memref<1x67xf32, #tpu.memory_space<vmem>>
        %dma_wait3A_968 = arith.constant 0 : i32
        %dma_wait3A_969 = arith.constant 0 : i32
        %dma_wait3A_970 = tpu.memref_slice %arg2[%dma_wait3A_968, %dma_wait3A_969] : memref<1000000x67xf32, #tpu.memory_space<hbm>> -> memref<1x67xf32, #tpu.memory_space<hbm>>
        tpu.wait_dma2 semaphore(%arg8 : memref<!tpu.dma_semaphore, #tpu.memory_space<semaphore_mem>>) src(%dma_wait3A_970 : memref<1x67xf32, #tpu.memory_space<hbm>>) dst(%dma_wait3A_967 : memref<1x67xf32, #tpu.memory_space<vmem>>)
        %dma_wait3A_971 = arith.constant 0 : i32
        %dma_wait3A_972 = arith.constant 0 : i32
        %dma_wait3A_973 = tpu.memref_slice %arg6[%dma_wait3A_971, %dma_wait3A_972] : memref<512x67xf32, #tpu.memory_space<vmem>> -> memref<1x67xf32, #tpu.memory_space<vmem>>
        %dma_wait3A_974 = arith.constant 0 : i32
        %dma_wait3A_975 = arith.constant 0 : i32
        %dma_wait3A_976 = tpu.memref_slice %arg2[%dma_wait3A_974, %dma_wait3A_975] : memref<1000000x67xf32, #tpu.memory_space<hbm>> -> memref<1x67xf32, #tpu.memory_space<hbm>>
        %dma_wait3A_977 = arith.constant 0 : i32
        %dma_wait3A_978 = arith.constant 0 : i32
        %dma_wait3A_979 = tpu.memref_slice %arg6[%dma_wait3A_977, %dma_wait3A_978] : memref<512x67xf32, #tpu.memory_space<vmem>> -> memref<1x67xf32, #tpu.memory_space<vmem>>
        %dma_wait3A_980 = arith.constant 0 : i32
        %dma_wait3A_981 = arith.constant 0 : i32
        %dma_wait3A_982 = tpu.memref_slice %arg2[%dma_wait3A_980, %dma_wait3A_981] : memref<1000000x67xf32, #tpu.memory_space<hbm>> -> memref<1x67xf32, #tpu.memory_space<hbm>>
        tpu.wait_dma2 semaphore(%arg9 : memref<!tpu.dma_semaphore, #tpu.memory_space<semaphore_mem>>) src(%dma_wait3A_982 : memref<1x67xf32, #tpu.memory_space<hbm>>) dst(%dma_wait3A_979 : memref<1x67xf32, #tpu.memory_space<vmem>>)
        %dma_wait3A_983 = arith.constant 0 : i32
        %dma_wait3A_984 = arith.constant 0 : i32
        %dma_wait3A_985 = tpu.memref_slice %arg6[%dma_wait3A_983, %dma_wait3A_984] : memref<512x67xf32, #tpu.memory_space<vmem>> -> memref<1x67xf32, #tpu.memory_space<vmem>>
        %dma_wait3A_986 = arith.constant 0 : i32
        %dma_wait3A_987 = arith.constant 0 : i32
        %dma_wait3A_988 = tpu.memref_slice %arg2[%dma_wait3A_986, %dma_wait3A_987] : memref<1000000x67xf32, #tpu.memory_space<hbm>> -> memref<1x67xf32, #tpu.memory_space<hbm>>
        %dma_wait3A_989 = arith.constant 0 : i32
        %dma_wait3A_990 = arith.constant 0 : i32
        %dma_wait3A_991 = tpu.memref_slice %arg6[%dma_wait3A_989, %dma_wait3A_990] : memref<512x67xf32, #tpu.memory_space<vmem>> -> memref<1x67xf32, #tpu.memory_space<vmem>>
        %dma_wait3A_992 = arith.constant 0 : i32
        %dma_wait3A_993 = arith.constant 0 : i32
        %dma_wait3A_994 = tpu.memref_slice %arg2[%dma_wait3A_992, %dma_wait3A_993] : memref<1000000x67xf32, #tpu.memory_space<hbm>> -> memref<1x67xf32, #tpu.memory_space<hbm>>
        tpu.wait_dma2 semaphore(%arg10 : memref<!tpu.dma_semaphore, #tpu.memory_space<semaphore_mem>>) src(%dma_wait3A_994 : memref<1x67xf32, #tpu.memory_space<hbm>>) dst(%dma_wait3A_991 : memref<1x67xf32, #tpu.memory_space<vmem>>)
        %dma_wait3A_995 = arith.constant 0 : i32
        %dma_wait3A_996 = arith.constant 0 : i32
        %dma_wait3A_997 = tpu.memref_slice %arg6[%dma_wait3A_995, %dma_wait3A_996] : memref<512x67xf32, #tpu.memory_space<vmem>> -> memref<1x67xf32, #tpu.memory_space<vmem>>
        %dma_wait3A_998 = arith.constant 0 : i32
        %dma_wait3A_999 = arith.constant 0 : i32
        %dma_wait3A_1000 = tpu.memref_slice %arg2[%dma_wait3A_998, %dma_wait3A_999] : memref<1000000x67xf32, #tpu.memory_space<hbm>> -> memref<1x67xf32, #tpu.memory_space<hbm>>
        %dma_wait3A_1001 = arith.constant 0 : i32
        %dma_wait3A_1002 = arith.constant 0 : i32
        %dma_wait3A_1003 = tpu.memref_slice %arg6[%dma_wait3A_1001, %dma_wait3A_1002] : memref<512x67xf32, #tpu.memory_space<vmem>> -> memref<1x67xf32, #tpu.memory_space<vmem>>
        %dma_wait3A_1004 = arith.constant 0 : i32
        %dma_wait3A_1005 = arith.constant 0 : i32
        %dma_wait3A_1006 = tpu.memref_slice %arg2[%dma_wait3A_1004, %dma_wait3A_1005] : memref<1000000x67xf32, #tpu.memory_space<hbm>> -> memref<1x67xf32, #tpu.memory_space<hbm>>
        tpu.wait_dma2 semaphore(%arg7 : memref<!tpu.dma_semaphore, #tpu.memory_space<semaphore_mem>>) src(%dma_wait3A_1006 : memref<1x67xf32, #tpu.memory_space<hbm>>) dst(%dma_wait3A_1003 : memref<1x67xf32, #tpu.memory_space<vmem>>)
        %dma_wait3A_1007 = arith.constant 0 : i32
        %dma_wait3A_1008 = arith.constant 0 : i32
        %dma_wait3A_1009 = tpu.memref_slice %arg6[%dma_wait3A_1007, %dma_wait3A_1008] : memref<512x67xf32, #tpu.memory_space<vmem>> -> memref<1x67xf32, #tpu.memory_space<vmem>>
        %dma_wait3A_1010 = arith.constant 0 : i32
        %dma_wait3A_1011 = arith.constant 0 : i32
        %dma_wait3A_1012 = tpu.memref_slice %arg2[%dma_wait3A_1010, %dma_wait3A_1011] : memref<1000000x67xf32, #tpu.memory_space<hbm>> -> memref<1x67xf32, #tpu.memory_space<hbm>>
        %dma_wait3A_1013 = arith.constant 0 : i32
        %dma_wait3A_1014 = arith.constant 0 : i32
        %dma_wait3A_1015 = tpu.memref_slice %arg6[%dma_wait3A_1013, %dma_wait3A_1014] : memref<512x67xf32, #tpu.memory_space<vmem>> -> memref<1x67xf32, #tpu.memory_space<vmem>>
        %dma_wait3A_1016 = arith.constant 0 : i32
        %dma_wait3A_1017 = arith.constant 0 : i32
        %dma_wait3A_1018 = tpu.memref_slice %arg2[%dma_wait3A_1016, %dma_wait3A_1017] : memref<1000000x67xf32, #tpu.memory_space<hbm>> -> memref<1x67xf32, #tpu.memory_space<hbm>>
        tpu.wait_dma2 semaphore(%arg8 : memref<!tpu.dma_semaphore, #tpu.memory_space<semaphore_mem>>) src(%dma_wait3A_1018 : memref<1x67xf32, #tpu.memory_space<hbm>>) dst(%dma_wait3A_1015 : memref<1x67xf32, #tpu.memory_space<vmem>>)
        %dma_wait3A_1019 = arith.constant 0 : i32
        %dma_wait3A_1020 = arith.constant 0 : i32
        %dma_wait3A_1021 = tpu.memref_slice %arg6[%dma_wait3A_1019, %dma_wait3A_1020] : memref<512x67xf32, #tpu.memory_space<vmem>> -> memref<1x67xf32, #tpu.memory_space<vmem>>
        %dma_wait3A_1022 = arith.constant 0 : i32
        %dma_wait3A_1023 = arith.constant 0 : i32
        %dma_wait3A_1024 = tpu.memref_slice %arg2[%dma_wait3A_1022, %dma_wait3A_1023] : memref<1000000x67xf32, #tpu.memory_space<hbm>> -> memref<1x67xf32, #tpu.memory_space<hbm>>
        %dma_wait3A_1025 = arith.constant 0 : i32
        %dma_wait3A_1026 = arith.constant 0 : i32
        %dma_wait3A_1027 = tpu.memref_slice %arg6[%dma_wait3A_1025, %dma_wait3A_1026] : memref<512x67xf32, #tpu.memory_space<vmem>> -> memref<1x67xf32, #tpu.memory_space<vmem>>
        %dma_wait3A_1028 = arith.constant 0 : i32
        %dma_wait3A_1029 = arith.constant 0 : i32
        %dma_wait3A_1030 = tpu.memref_slice %arg2[%dma_wait3A_1028, %dma_wait3A_1029] : memref<1000000x67xf32, #tpu.memory_space<hbm>> -> memref<1x67xf32, #tpu.memory_space<hbm>>
        tpu.wait_dma2 semaphore(%arg9 : memref<!tpu.dma_semaphore, #tpu.memory_space<semaphore_mem>>) src(%dma_wait3A_1030 : memref<1x67xf32, #tpu.memory_space<hbm>>) dst(%dma_wait3A_1027 : memref<1x67xf32, #tpu.memory_space<vmem>>)
        %dma_wait3A_1031 = arith.constant 0 : i32
        %dma_wait3A_1032 = arith.constant 0 : i32
        %dma_wait3A_1033 = tpu.memref_slice %arg6[%dma_wait3A_1031, %dma_wait3A_1032] : memref<512x67xf32, #tpu.memory_space<vmem>> -> memref<1x67xf32, #tpu.memory_space<vmem>>
        %dma_wait3A_1034 = arith.constant 0 : i32
        %dma_wait3A_1035 = arith.constant 0 : i32
        %dma_wait3A_1036 = tpu.memref_slice %arg2[%dma_wait3A_1034, %dma_wait3A_1035] : memref<1000000x67xf32, #tpu.memory_space<hbm>> -> memref<1x67xf32, #tpu.memory_space<hbm>>
        %dma_wait3A_1037 = arith.constant 0 : i32
        %dma_wait3A_1038 = arith.constant 0 : i32
        %dma_wait3A_1039 = tpu.memref_slice %arg6[%dma_wait3A_1037, %dma_wait3A_1038] : memref<512x67xf32, #tpu.memory_space<vmem>> -> memref<1x67xf32, #tpu.memory_space<vmem>>
        %dma_wait3A_1040 = arith.constant 0 : i32
        %dma_wait3A_1041 = arith.constant 0 : i32
        %dma_wait3A_1042 = tpu.memref_slice %arg2[%dma_wait3A_1040, %dma_wait3A_1041] : memref<1000000x67xf32, #tpu.memory_space<hbm>> -> memref<1x67xf32, #tpu.memory_space<hbm>>
        tpu.wait_dma2 semaphore(%arg10 : memref<!tpu.dma_semaphore, #tpu.memory_space<semaphore_mem>>) src(%dma_wait3A_1042 : memref<1x67xf32, #tpu.memory_space<hbm>>) dst(%dma_wait3A_1039 : memref<1x67xf32, #tpu.memory_space<vmem>>)
        %dma_wait3A_1043 = arith.constant 0 : i32
        %dma_wait3A_1044 = arith.constant 0 : i32
        %dma_wait3A_1045 = tpu.memref_slice %arg6[%dma_wait3A_1043, %dma_wait3A_1044] : memref<512x67xf32, #tpu.memory_space<vmem>> -> memref<1x67xf32, #tpu.memory_space<vmem>>
        %dma_wait3A_1046 = arith.constant 0 : i32
        %dma_wait3A_1047 = arith.constant 0 : i32
        %dma_wait3A_1048 = tpu.memref_slice %arg2[%dma_wait3A_1046, %dma_wait3A_1047] : memref<1000000x67xf32, #tpu.memory_space<hbm>> -> memref<1x67xf32, #tpu.memory_space<hbm>>
        %dma_wait3A_1049 = arith.constant 0 : i32
        %dma_wait3A_1050 = arith.constant 0 : i32
        %dma_wait3A_1051 = tpu.memref_slice %arg6[%dma_wait3A_1049, %dma_wait3A_1050] : memref<512x67xf32, #tpu.memory_space<vmem>> -> memref<1x67xf32, #tpu.memory_space<vmem>>
        %dma_wait3A_1052 = arith.constant 0 : i32
        %dma_wait3A_1053 = arith.constant 0 : i32
        %dma_wait3A_1054 = tpu.memref_slice %arg2[%dma_wait3A_1052, %dma_wait3A_1053] : memref<1000000x67xf32, #tpu.memory_space<hbm>> -> memref<1x67xf32, #tpu.memory_space<hbm>>
        tpu.wait_dma2 semaphore(%arg7 : memref<!tpu.dma_semaphore, #tpu.memory_space<semaphore_mem>>) src(%dma_wait3A_1054 : memref<1x67xf32, #tpu.memory_space<hbm>>) dst(%dma_wait3A_1051 : memref<1x67xf32, #tpu.memory_space<vmem>>)
        %dma_wait3A_1055 = arith.constant 0 : i32
        %dma_wait3A_1056 = arith.constant 0 : i32
        %dma_wait3A_1057 = tpu.memref_slice %arg6[%dma_wait3A_1055, %dma_wait3A_1056] : memref<512x67xf32, #tpu.memory_space<vmem>> -> memref<1x67xf32, #tpu.memory_space<vmem>>
        %dma_wait3A_1058 = arith.constant 0 : i32
        %dma_wait3A_1059 = arith.constant 0 : i32
        %dma_wait3A_1060 = tpu.memref_slice %arg2[%dma_wait3A_1058, %dma_wait3A_1059] : memref<1000000x67xf32, #tpu.memory_space<hbm>> -> memref<1x67xf32, #tpu.memory_space<hbm>>
        %dma_wait3A_1061 = arith.constant 0 : i32
        %dma_wait3A_1062 = arith.constant 0 : i32
        %dma_wait3A_1063 = tpu.memref_slice %arg6[%dma_wait3A_1061, %dma_wait3A_1062] : memref<512x67xf32, #tpu.memory_space<vmem>> -> memref<1x67xf32, #tpu.memory_space<vmem>>
        %dma_wait3A_1064 = arith.constant 0 : i32
        %dma_wait3A_1065 = arith.constant 0 : i32
        %dma_wait3A_1066 = tpu.memref_slice %arg2[%dma_wait3A_1064, %dma_wait3A_1065] : memref<1000000x67xf32, #tpu.memory_space<hbm>> -> memref<1x67xf32, #tpu.memory_space<hbm>>
        tpu.wait_dma2 semaphore(%arg8 : memref<!tpu.dma_semaphore, #tpu.memory_space<semaphore_mem>>) src(%dma_wait3A_1066 : memref<1x67xf32, #tpu.memory_space<hbm>>) dst(%dma_wait3A_1063 : memref<1x67xf32, #tpu.memory_space<vmem>>)
        %dma_wait3A_1067 = arith.constant 0 : i32
        %dma_wait3A_1068 = arith.constant 0 : i32
        %dma_wait3A_1069 = tpu.memref_slice %arg6[%dma_wait3A_1067, %dma_wait3A_1068] : memref<512x67xf32, #tpu.memory_space<vmem>> -> memref<1x67xf32, #tpu.memory_space<vmem>>
        %dma_wait3A_1070 = arith.constant 0 : i32
        %dma_wait3A_1071 = arith.constant 0 : i32
        %dma_wait3A_1072 = tpu.memref_slice %arg2[%dma_wait3A_1070, %dma_wait3A_1071] : memref<1000000x67xf32, #tpu.memory_space<hbm>> -> memref<1x67xf32, #tpu.memory_space<hbm>>
        %dma_wait3A_1073 = arith.constant 0 : i32
        %dma_wait3A_1074 = arith.constant 0 : i32
        %dma_wait3A_1075 = tpu.memref_slice %arg6[%dma_wait3A_1073, %dma_wait3A_1074] : memref<512x67xf32, #tpu.memory_space<vmem>> -> memref<1x67xf32, #tpu.memory_space<vmem>>
        %dma_wait3A_1076 = arith.constant 0 : i32
        %dma_wait3A_1077 = arith.constant 0 : i32
        %dma_wait3A_1078 = tpu.memref_slice %arg2[%dma_wait3A_1076, %dma_wait3A_1077] : memref<1000000x67xf32, #tpu.memory_space<hbm>> -> memref<1x67xf32, #tpu.memory_space<hbm>>
        tpu.wait_dma2 semaphore(%arg9 : memref<!tpu.dma_semaphore, #tpu.memory_space<semaphore_mem>>) src(%dma_wait3A_1078 : memref<1x67xf32, #tpu.memory_space<hbm>>) dst(%dma_wait3A_1075 : memref<1x67xf32, #tpu.memory_space<vmem>>)
        %dma_wait3A_1079 = arith.constant 0 : i32
        %dma_wait3A_1080 = arith.constant 0 : i32
        %dma_wait3A_1081 = tpu.memref_slice %arg6[%dma_wait3A_1079, %dma_wait3A_1080] : memref<512x67xf32, #tpu.memory_space<vmem>> -> memref<1x67xf32, #tpu.memory_space<vmem>>
        %dma_wait3A_1082 = arith.constant 0 : i32
        %dma_wait3A_1083 = arith.constant 0 : i32
        %dma_wait3A_1084 = tpu.memref_slice %arg2[%dma_wait3A_1082, %dma_wait3A_1083] : memref<1000000x67xf32, #tpu.memory_space<hbm>> -> memref<1x67xf32, #tpu.memory_space<hbm>>
        %dma_wait3A_1085 = arith.constant 0 : i32
        %dma_wait3A_1086 = arith.constant 0 : i32
        %dma_wait3A_1087 = tpu.memref_slice %arg6[%dma_wait3A_1085, %dma_wait3A_1086] : memref<512x67xf32, #tpu.memory_space<vmem>> -> memref<1x67xf32, #tpu.memory_space<vmem>>
        %dma_wait3A_1088 = arith.constant 0 : i32
        %dma_wait3A_1089 = arith.constant 0 : i32
        %dma_wait3A_1090 = tpu.memref_slice %arg2[%dma_wait3A_1088, %dma_wait3A_1089] : memref<1000000x67xf32, #tpu.memory_space<hbm>> -> memref<1x67xf32, #tpu.memory_space<hbm>>
        tpu.wait_dma2 semaphore(%arg10 : memref<!tpu.dma_semaphore, #tpu.memory_space<semaphore_mem>>) src(%dma_wait3A_1090 : memref<1x67xf32, #tpu.memory_space<hbm>>) dst(%dma_wait3A_1087 : memref<1x67xf32, #tpu.memory_space<vmem>>)
        %dma_wait3A_1091 = arith.constant 0 : i32
        %dma_wait3A_1092 = arith.constant 0 : i32
        %dma_wait3A_1093 = tpu.memref_slice %arg6[%dma_wait3A_1091, %dma_wait3A_1092] : memref<512x67xf32, #tpu.memory_space<vmem>> -> memref<1x67xf32, #tpu.memory_space<vmem>>
        %dma_wait3A_1094 = arith.constant 0 : i32
        %dma_wait3A_1095 = arith.constant 0 : i32
        %dma_wait3A_1096 = tpu.memref_slice %arg2[%dma_wait3A_1094, %dma_wait3A_1095] : memref<1000000x67xf32, #tpu.memory_space<hbm>> -> memref<1x67xf32, #tpu.memory_space<hbm>>
        %dma_wait3A_1097 = arith.constant 0 : i32
        %dma_wait3A_1098 = arith.constant 0 : i32
        %dma_wait3A_1099 = tpu.memref_slice %arg6[%dma_wait3A_1097, %dma_wait3A_1098] : memref<512x67xf32, #tpu.memory_space<vmem>> -> memref<1x67xf32, #tpu.memory_space<vmem>>
        %dma_wait3A_1100 = arith.constant 0 : i32
        %dma_wait3A_1101 = arith.constant 0 : i32
        %dma_wait3A_1102 = tpu.memref_slice %arg2[%dma_wait3A_1100, %dma_wait3A_1101] : memref<1000000x67xf32, #tpu.memory_space<hbm>> -> memref<1x67xf32, #tpu.memory_space<hbm>>
        tpu.wait_dma2 semaphore(%arg7 : memref<!tpu.dma_semaphore, #tpu.memory_space<semaphore_mem>>) src(%dma_wait3A_1102 : memref<1x67xf32, #tpu.memory_space<hbm>>) dst(%dma_wait3A_1099 : memref<1x67xf32, #tpu.memory_space<vmem>>)
        %dma_wait3A_1103 = arith.constant 0 : i32
        %dma_wait3A_1104 = arith.constant 0 : i32
        %dma_wait3A_1105 = tpu.memref_slice %arg6[%dma_wait3A_1103, %dma_wait3A_1104] : memref<512x67xf32, #tpu.memory_space<vmem>> -> memref<1x67xf32, #tpu.memory_space<vmem>>
        %dma_wait3A_1106 = arith.constant 0 : i32
        %dma_wait3A_1107 = arith.constant 0 : i32
        %dma_wait3A_1108 = tpu.memref_slice %arg2[%dma_wait3A_1106, %dma_wait3A_1107] : memref<1000000x67xf32, #tpu.memory_space<hbm>> -> memref<1x67xf32, #tpu.memory_space<hbm>>
        %dma_wait3A_1109 = arith.constant 0 : i32
        %dma_wait3A_1110 = arith.constant 0 : i32
        %dma_wait3A_1111 = tpu.memref_slice %arg6[%dma_wait3A_1109, %dma_wait3A_1110] : memref<512x67xf32, #tpu.memory_space<vmem>> -> memref<1x67xf32, #tpu.memory_space<vmem>>
        %dma_wait3A_1112 = arith.constant 0 : i32
        %dma_wait3A_1113 = arith.constant 0 : i32
        %dma_wait3A_1114 = tpu.memref_slice %arg2[%dma_wait3A_1112, %dma_wait3A_1113] : memref<1000000x67xf32, #tpu.memory_space<hbm>> -> memref<1x67xf32, #tpu.memory_space<hbm>>
        tpu.wait_dma2 semaphore(%arg8 : memref<!tpu.dma_semaphore, #tpu.memory_space<semaphore_mem>>) src(%dma_wait3A_1114 : memref<1x67xf32, #tpu.memory_space<hbm>>) dst(%dma_wait3A_1111 : memref<1x67xf32, #tpu.memory_space<vmem>>)
        %dma_wait3A_1115 = arith.constant 0 : i32
        %dma_wait3A_1116 = arith.constant 0 : i32
        %dma_wait3A_1117 = tpu.memref_slice %arg6[%dma_wait3A_1115, %dma_wait3A_1116] : memref<512x67xf32, #tpu.memory_space<vmem>> -> memref<1x67xf32, #tpu.memory_space<vmem>>
        %dma_wait3A_1118 = arith.constant 0 : i32
        %dma_wait3A_1119 = arith.constant 0 : i32
        %dma_wait3A_1120 = tpu.memref_slice %arg2[%dma_wait3A_1118, %dma_wait3A_1119] : memref<1000000x67xf32, #tpu.memory_space<hbm>> -> memref<1x67xf32, #tpu.memory_space<hbm>>
        %dma_wait3A_1121 = arith.constant 0 : i32
        %dma_wait3A_1122 = arith.constant 0 : i32
        %dma_wait3A_1123 = tpu.memref_slice %arg6[%dma_wait3A_1121, %dma_wait3A_1122] : memref<512x67xf32, #tpu.memory_space<vmem>> -> memref<1x67xf32, #tpu.memory_space<vmem>>
        %dma_wait3A_1124 = arith.constant 0 : i32
        %dma_wait3A_1125 = arith.constant 0 : i32
        %dma_wait3A_1126 = tpu.memref_slice %arg2[%dma_wait3A_1124, %dma_wait3A_1125] : memref<1000000x67xf32, #tpu.memory_space<hbm>> -> memref<1x67xf32, #tpu.memory_space<hbm>>
        tpu.wait_dma2 semaphore(%arg9 : memref<!tpu.dma_semaphore, #tpu.memory_space<semaphore_mem>>) src(%dma_wait3A_1126 : memref<1x67xf32, #tpu.memory_space<hbm>>) dst(%dma_wait3A_1123 : memref<1x67xf32, #tpu.memory_space<vmem>>)
        %dma_wait3A_1127 = arith.constant 0 : i32
        %dma_wait3A_1128 = arith.constant 0 : i32
        %dma_wait3A_1129 = tpu.memref_slice %arg6[%dma_wait3A_1127, %dma_wait3A_1128] : memref<512x67xf32, #tpu.memory_space<vmem>> -> memref<1x67xf32, #tpu.memory_space<vmem>>
        %dma_wait3A_1130 = arith.constant 0 : i32
        %dma_wait3A_1131 = arith.constant 0 : i32
        %dma_wait3A_1132 = tpu.memref_slice %arg2[%dma_wait3A_1130, %dma_wait3A_1131] : memref<1000000x67xf32, #tpu.memory_space<hbm>> -> memref<1x67xf32, #tpu.memory_space<hbm>>
        %dma_wait3A_1133 = arith.constant 0 : i32
        %dma_wait3A_1134 = arith.constant 0 : i32
        %dma_wait3A_1135 = tpu.memref_slice %arg6[%dma_wait3A_1133, %dma_wait3A_1134] : memref<512x67xf32, #tpu.memory_space<vmem>> -> memref<1x67xf32, #tpu.memory_space<vmem>>
        %dma_wait3A_1136 = arith.constant 0 : i32
        %dma_wait3A_1137 = arith.constant 0 : i32
        %dma_wait3A_1138 = tpu.memref_slice %arg2[%dma_wait3A_1136, %dma_wait3A_1137] : memref<1000000x67xf32, #tpu.memory_space<hbm>> -> memref<1x67xf32, #tpu.memory_space<hbm>>
        tpu.wait_dma2 semaphore(%arg10 : memref<!tpu.dma_semaphore, #tpu.memory_space<semaphore_mem>>) src(%dma_wait3A_1138 : memref<1x67xf32, #tpu.memory_space<hbm>>) dst(%dma_wait3A_1135 : memref<1x67xf32, #tpu.memory_space<vmem>>)
        %dma_wait3A_1139 = arith.constant 0 : i32
        %dma_wait3A_1140 = arith.constant 0 : i32
        %dma_wait3A_1141 = tpu.memref_slice %arg6[%dma_wait3A_1139, %dma_wait3A_1140] : memref<512x67xf32, #tpu.memory_space<vmem>> -> memref<1x67xf32, #tpu.memory_space<vmem>>
        %dma_wait3A_1142 = arith.constant 0 : i32
        %dma_wait3A_1143 = arith.constant 0 : i32
        %dma_wait3A_1144 = tpu.memref_slice %arg2[%dma_wait3A_1142, %dma_wait3A_1143] : memref<1000000x67xf32, #tpu.memory_space<hbm>> -> memref<1x67xf32, #tpu.memory_space<hbm>>
        %dma_wait3A_1145 = arith.constant 0 : i32
        %dma_wait3A_1146 = arith.constant 0 : i32
        %dma_wait3A_1147 = tpu.memref_slice %arg6[%dma_wait3A_1145, %dma_wait3A_1146] : memref<512x67xf32, #tpu.memory_space<vmem>> -> memref<1x67xf32, #tpu.memory_space<vmem>>
        %dma_wait3A_1148 = arith.constant 0 : i32
        %dma_wait3A_1149 = arith.constant 0 : i32
        %dma_wait3A_1150 = tpu.memref_slice %arg2[%dma_wait3A_1148, %dma_wait3A_1149] : memref<1000000x67xf32, #tpu.memory_space<hbm>> -> memref<1x67xf32, #tpu.memory_space<hbm>>
        tpu.wait_dma2 semaphore(%arg7 : memref<!tpu.dma_semaphore, #tpu.memory_space<semaphore_mem>>) src(%dma_wait3A_1150 : memref<1x67xf32, #tpu.memory_space<hbm>>) dst(%dma_wait3A_1147 : memref<1x67xf32, #tpu.memory_space<vmem>>)
        %dma_wait3A_1151 = arith.constant 0 : i32
        %dma_wait3A_1152 = arith.constant 0 : i32
        %dma_wait3A_1153 = tpu.memref_slice %arg6[%dma_wait3A_1151, %dma_wait3A_1152] : memref<512x67xf32, #tpu.memory_space<vmem>> -> memref<1x67xf32, #tpu.memory_space<vmem>>
        %dma_wait3A_1154 = arith.constant 0 : i32
        %dma_wait3A_1155 = arith.constant 0 : i32
        %dma_wait3A_1156 = tpu.memref_slice %arg2[%dma_wait3A_1154, %dma_wait3A_1155] : memref<1000000x67xf32, #tpu.memory_space<hbm>> -> memref<1x67xf32, #tpu.memory_space<hbm>>
        %dma_wait3A_1157 = arith.constant 0 : i32
        %dma_wait3A_1158 = arith.constant 0 : i32
        %dma_wait3A_1159 = tpu.memref_slice %arg6[%dma_wait3A_1157, %dma_wait3A_1158] : memref<512x67xf32, #tpu.memory_space<vmem>> -> memref<1x67xf32, #tpu.memory_space<vmem>>
        %dma_wait3A_1160 = arith.constant 0 : i32
        %dma_wait3A_1161 = arith.constant 0 : i32
        %dma_wait3A_1162 = tpu.memref_slice %arg2[%dma_wait3A_1160, %dma_wait3A_1161] : memref<1000000x67xf32, #tpu.memory_space<hbm>> -> memref<1x67xf32, #tpu.memory_space<hbm>>
        tpu.wait_dma2 semaphore(%arg8 : memref<!tpu.dma_semaphore, #tpu.memory_space<semaphore_mem>>) src(%dma_wait3A_1162 : memref<1x67xf32, #tpu.memory_space<hbm>>) dst(%dma_wait3A_1159 : memref<1x67xf32, #tpu.memory_space<vmem>>)
        %dma_wait3A_1163 = arith.constant 0 : i32
        %dma_wait3A_1164 = arith.constant 0 : i32
        %dma_wait3A_1165 = tpu.memref_slice %arg6[%dma_wait3A_1163, %dma_wait3A_1164] : memref<512x67xf32, #tpu.memory_space<vmem>> -> memref<1x67xf32, #tpu.memory_space<vmem>>
        %dma_wait3A_1166 = arith.constant 0 : i32
        %dma_wait3A_1167 = arith.constant 0 : i32
        %dma_wait3A_1168 = tpu.memref_slice %arg2[%dma_wait3A_1166, %dma_wait3A_1167] : memref<1000000x67xf32, #tpu.memory_space<hbm>> -> memref<1x67xf32, #tpu.memory_space<hbm>>
        %dma_wait3A_1169 = arith.constant 0 : i32
        %dma_wait3A_1170 = arith.constant 0 : i32
        %dma_wait3A_1171 = tpu.memref_slice %arg6[%dma_wait3A_1169, %dma_wait3A_1170] : memref<512x67xf32, #tpu.memory_space<vmem>> -> memref<1x67xf32, #tpu.memory_space<vmem>>
        %dma_wait3A_1172 = arith.constant 0 : i32
        %dma_wait3A_1173 = arith.constant 0 : i32
        %dma_wait3A_1174 = tpu.memref_slice %arg2[%dma_wait3A_1172, %dma_wait3A_1173] : memref<1000000x67xf32, #tpu.memory_space<hbm>> -> memref<1x67xf32, #tpu.memory_space<hbm>>
        tpu.wait_dma2 semaphore(%arg9 : memref<!tpu.dma_semaphore, #tpu.memory_space<semaphore_mem>>) src(%dma_wait3A_1174 : memref<1x67xf32, #tpu.memory_space<hbm>>) dst(%dma_wait3A_1171 : memref<1x67xf32, #tpu.memory_space<vmem>>)
        %dma_wait3A_1175 = arith.constant 0 : i32
        %dma_wait3A_1176 = arith.constant 0 : i32
        %dma_wait3A_1177 = tpu.memref_slice %arg6[%dma_wait3A_1175, %dma_wait3A_1176] : memref<512x67xf32, #tpu.memory_space<vmem>> -> memref<1x67xf32, #tpu.memory_space<vmem>>
        %dma_wait3A_1178 = arith.constant 0 : i32
        %dma_wait3A_1179 = arith.constant 0 : i32
        %dma_wait3A_1180 = tpu.memref_slice %arg2[%dma_wait3A_1178, %dma_wait3A_1179] : memref<1000000x67xf32, #tpu.memory_space<hbm>> -> memref<1x67xf32, #tpu.memory_space<hbm>>
        %dma_wait3A_1181 = arith.constant 0 : i32
        %dma_wait3A_1182 = arith.constant 0 : i32
        %dma_wait3A_1183 = tpu.memref_slice %arg6[%dma_wait3A_1181, %dma_wait3A_1182] : memref<512x67xf32, #tpu.memory_space<vmem>> -> memref<1x67xf32, #tpu.memory_space<vmem>>
        %dma_wait3A_1184 = arith.constant 0 : i32
        %dma_wait3A_1185 = arith.constant 0 : i32
        %dma_wait3A_1186 = tpu.memref_slice %arg2[%dma_wait3A_1184, %dma_wait3A_1185] : memref<1000000x67xf32, #tpu.memory_space<hbm>> -> memref<1x67xf32, #tpu.memory_space<hbm>>
        tpu.wait_dma2 semaphore(%arg10 : memref<!tpu.dma_semaphore, #tpu.memory_space<semaphore_mem>>) src(%dma_wait3A_1186 : memref<1x67xf32, #tpu.memory_space<hbm>>) dst(%dma_wait3A_1183 : memref<1x67xf32, #tpu.memory_space<vmem>>)
        %dma_wait3A_1187 = arith.constant 0 : i32
        %dma_wait3A_1188 = arith.constant 0 : i32
        %dma_wait3A_1189 = tpu.memref_slice %arg6[%dma_wait3A_1187, %dma_wait3A_1188] : memref<512x67xf32, #tpu.memory_space<vmem>> -> memref<1x67xf32, #tpu.memory_space<vmem>>
        %dma_wait3A_1190 = arith.constant 0 : i32
        %dma_wait3A_1191 = arith.constant 0 : i32
        %dma_wait3A_1192 = tpu.memref_slice %arg2[%dma_wait3A_1190, %dma_wait3A_1191] : memref<1000000x67xf32, #tpu.memory_space<hbm>> -> memref<1x67xf32, #tpu.memory_space<hbm>>
        %dma_wait3A_1193 = arith.constant 0 : i32
        %dma_wait3A_1194 = arith.constant 0 : i32
        %dma_wait3A_1195 = tpu.memref_slice %arg6[%dma_wait3A_1193, %dma_wait3A_1194] : memref<512x67xf32, #tpu.memory_space<vmem>> -> memref<1x67xf32, #tpu.memory_space<vmem>>
        %dma_wait3A_1196 = arith.constant 0 : i32
        %dma_wait3A_1197 = arith.constant 0 : i32
        %dma_wait3A_1198 = tpu.memref_slice %arg2[%dma_wait3A_1196, %dma_wait3A_1197] : memref<1000000x67xf32, #tpu.memory_space<hbm>> -> memref<1x67xf32, #tpu.memory_space<hbm>>
        tpu.wait_dma2 semaphore(%arg7 : memref<!tpu.dma_semaphore, #tpu.memory_space<semaphore_mem>>) src(%dma_wait3A_1198 : memref<1x67xf32, #tpu.memory_space<hbm>>) dst(%dma_wait3A_1195 : memref<1x67xf32, #tpu.memory_space<vmem>>)
        %dma_wait3A_1199 = arith.constant 0 : i32
        %dma_wait3A_1200 = arith.constant 0 : i32
        %dma_wait3A_1201 = tpu.memref_slice %arg6[%dma_wait3A_1199, %dma_wait3A_1200] : memref<512x67xf32, #tpu.memory_space<vmem>> -> memref<1x67xf32, #tpu.memory_space<vmem>>
        %dma_wait3A_1202 = arith.constant 0 : i32
        %dma_wait3A_1203 = arith.constant 0 : i32
        %dma_wait3A_1204 = tpu.memref_slice %arg2[%dma_wait3A_1202, %dma_wait3A_1203] : memref<1000000x67xf32, #tpu.memory_space<hbm>> -> memref<1x67xf32, #tpu.memory_space<hbm>>
        %dma_wait3A_1205 = arith.constant 0 : i32
        %dma_wait3A_1206 = arith.constant 0 : i32
        %dma_wait3A_1207 = tpu.memref_slice %arg6[%dma_wait3A_1205, %dma_wait3A_1206] : memref<512x67xf32, #tpu.memory_space<vmem>> -> memref<1x67xf32, #tpu.memory_space<vmem>>
        %dma_wait3A_1208 = arith.constant 0 : i32
        %dma_wait3A_1209 = arith.constant 0 : i32
        %dma_wait3A_1210 = tpu.memref_slice %arg2[%dma_wait3A_1208, %dma_wait3A_1209] : memref<1000000x67xf32, #tpu.memory_space<hbm>> -> memref<1x67xf32, #tpu.memory_space<hbm>>
        tpu.wait_dma2 semaphore(%arg8 : memref<!tpu.dma_semaphore, #tpu.memory_space<semaphore_mem>>) src(%dma_wait3A_1210 : memref<1x67xf32, #tpu.memory_space<hbm>>) dst(%dma_wait3A_1207 : memref<1x67xf32, #tpu.memory_space<vmem>>)
        %dma_wait3A_1211 = arith.constant 0 : i32
        %dma_wait3A_1212 = arith.constant 0 : i32
        %dma_wait3A_1213 = tpu.memref_slice %arg6[%dma_wait3A_1211, %dma_wait3A_1212] : memref<512x67xf32, #tpu.memory_space<vmem>> -> memref<1x67xf32, #tpu.memory_space<vmem>>
        %dma_wait3A_1214 = arith.constant 0 : i32
        %dma_wait3A_1215 = arith.constant 0 : i32
        %dma_wait3A_1216 = tpu.memref_slice %arg2[%dma_wait3A_1214, %dma_wait3A_1215] : memref<1000000x67xf32, #tpu.memory_space<hbm>> -> memref<1x67xf32, #tpu.memory_space<hbm>>
        %dma_wait3A_1217 = arith.constant 0 : i32
        %dma_wait3A_1218 = arith.constant 0 : i32
        %dma_wait3A_1219 = tpu.memref_slice %arg6[%dma_wait3A_1217, %dma_wait3A_1218] : memref<512x67xf32, #tpu.memory_space<vmem>> -> memref<1x67xf32, #tpu.memory_space<vmem>>
        %dma_wait3A_1220 = arith.constant 0 : i32
        %dma_wait3A_1221 = arith.constant 0 : i32
        %dma_wait3A_1222 = tpu.memref_slice %arg2[%dma_wait3A_1220, %dma_wait3A_1221] : memref<1000000x67xf32, #tpu.memory_space<hbm>> -> memref<1x67xf32, #tpu.memory_space<hbm>>
        tpu.wait_dma2 semaphore(%arg9 : memref<!tpu.dma_semaphore, #tpu.memory_space<semaphore_mem>>) src(%dma_wait3A_1222 : memref<1x67xf32, #tpu.memory_space<hbm>>) dst(%dma_wait3A_1219 : memref<1x67xf32, #tpu.memory_space<vmem>>)
        %dma_wait3A_1223 = arith.constant 0 : i32
        %dma_wait3A_1224 = arith.constant 0 : i32
        %dma_wait3A_1225 = tpu.memref_slice %arg6[%dma_wait3A_1223, %dma_wait3A_1224] : memref<512x67xf32, #tpu.memory_space<vmem>> -> memref<1x67xf32, #tpu.memory_space<vmem>>
        %dma_wait3A_1226 = arith.constant 0 : i32
        %dma_wait3A_1227 = arith.constant 0 : i32
        %dma_wait3A_1228 = tpu.memref_slice %arg2[%dma_wait3A_1226, %dma_wait3A_1227] : memref<1000000x67xf32, #tpu.memory_space<hbm>> -> memref<1x67xf32, #tpu.memory_space<hbm>>
        %dma_wait3A_1229 = arith.constant 0 : i32
        %dma_wait3A_1230 = arith.constant 0 : i32
        %dma_wait3A_1231 = tpu.memref_slice %arg6[%dma_wait3A_1229, %dma_wait3A_1230] : memref<512x67xf32, #tpu.memory_space<vmem>> -> memref<1x67xf32, #tpu.memory_space<vmem>>
        %dma_wait3A_1232 = arith.constant 0 : i32
        %dma_wait3A_1233 = arith.constant 0 : i32
        %dma_wait3A_1234 = tpu.memref_slice %arg2[%dma_wait3A_1232, %dma_wait3A_1233] : memref<1000000x67xf32, #tpu.memory_space<hbm>> -> memref<1x67xf32, #tpu.memory_space<hbm>>
        tpu.wait_dma2 semaphore(%arg10 : memref<!tpu.dma_semaphore, #tpu.memory_space<semaphore_mem>>) src(%dma_wait3A_1234 : memref<1x67xf32, #tpu.memory_space<hbm>>) dst(%dma_wait3A_1231 : memref<1x67xf32, #tpu.memory_space<vmem>>)
      } else {
      }
    }
    %scan3A_6 = arith.constant 16 : i32
    %dma_wait3A = arith.constant 0 : i32
    %dma_wait3A_7 = arith.constant 0 : i32
    %dma_wait3A_8 = tpu.memref_slice %arg6[%dma_wait3A, %dma_wait3A_7] : memref<512x67xf32, #tpu.memory_space<vmem>> -> memref<1x67xf32, #tpu.memory_space<vmem>>
    %dma_wait3A_9 = arith.constant 0 : i32
    %dma_wait3A_10 = arith.constant 0 : i32
    %dma_wait3A_11 = tpu.memref_slice %arg2[%dma_wait3A_9, %dma_wait3A_10] : memref<1000000x67xf32, #tpu.memory_space<hbm>> -> memref<1x67xf32, #tpu.memory_space<hbm>>
    %dma_wait3A_12 = arith.constant 0 : i32
    %dma_wait3A_13 = arith.constant 0 : i32
    %dma_wait3A_14 = tpu.memref_slice %arg6[%dma_wait3A_12, %dma_wait3A_13] : memref<512x67xf32, #tpu.memory_space<vmem>> -> memref<1x67xf32, #tpu.memory_space<vmem>>
    %dma_wait3A_15 = arith.constant 0 : i32
    %dma_wait3A_16 = arith.constant 0 : i32
    %dma_wait3A_17 = tpu.memref_slice %arg2[%dma_wait3A_15, %dma_wait3A_16] : memref<1000000x67xf32, #tpu.memory_space<hbm>> -> memref<1x67xf32, #tpu.memory_space<hbm>>
    tpu.wait_dma2 semaphore(%arg7 : memref<!tpu.dma_semaphore, #tpu.memory_space<semaphore_mem>>) src(%dma_wait3A_17 : memref<1x67xf32, #tpu.memory_space<hbm>>) dst(%dma_wait3A_14 : memref<1x67xf32, #tpu.memory_space<vmem>>)
    %dma_wait3A_18 = arith.constant 0 : i32
    %dma_wait3A_19 = arith.constant 0 : i32
    %dma_wait3A_20 = tpu.memref_slice %arg6[%dma_wait3A_18, %dma_wait3A_19] : memref<512x67xf32, #tpu.memory_space<vmem>> -> memref<1x67xf32, #tpu.memory_space<vmem>>
    %dma_wait3A_21 = arith.constant 0 : i32
    %dma_wait3A_22 = arith.constant 0 : i32
    %dma_wait3A_23 = tpu.memref_slice %arg2[%dma_wait3A_21, %dma_wait3A_22] : memref<1000000x67xf32, #tpu.memory_space<hbm>> -> memref<1x67xf32, #tpu.memory_space<hbm>>
    %dma_wait3A_24 = arith.constant 0 : i32
    %dma_wait3A_25 = arith.constant 0 : i32
    %dma_wait3A_26 = tpu.memref_slice %arg6[%dma_wait3A_24, %dma_wait3A_25] : memref<512x67xf32, #tpu.memory_space<vmem>> -> memref<1x67xf32, #tpu.memory_space<vmem>>
    %dma_wait3A_27 = arith.constant 0 : i32
    %dma_wait3A_28 = arith.constant 0 : i32
    %dma_wait3A_29 = tpu.memref_slice %arg2[%dma_wait3A_27, %dma_wait3A_28] : memref<1000000x67xf32, #tpu.memory_space<hbm>> -> memref<1x67xf32, #tpu.memory_space<hbm>>
    tpu.wait_dma2 semaphore(%arg8 : memref<!tpu.dma_semaphore, #tpu.memory_space<semaphore_mem>>) src(%dma_wait3A_29 : memref<1x67xf32, #tpu.memory_space<hbm>>) dst(%dma_wait3A_26 : memref<1x67xf32, #tpu.memory_space<vmem>>)
    %dma_wait3A_30 = arith.constant 0 : i32
    %dma_wait3A_31 = arith.constant 0 : i32
    %dma_wait3A_32 = tpu.memref_slice %arg6[%dma_wait3A_30, %dma_wait3A_31] : memref<512x67xf32, #tpu.memory_space<vmem>> -> memref<1x67xf32, #tpu.memory_space<vmem>>
    %dma_wait3A_33 = arith.constant 0 : i32
    %dma_wait3A_34 = arith.constant 0 : i32
    %dma_wait3A_35 = tpu.memref_slice %arg2[%dma_wait3A_33, %dma_wait3A_34] : memref<1000000x67xf32, #tpu.memory_space<hbm>> -> memref<1x67xf32, #tpu.memory_space<hbm>>
    %dma_wait3A_36 = arith.constant 0 : i32
    %dma_wait3A_37 = arith.constant 0 : i32
    %dma_wait3A_38 = tpu.memref_slice %arg6[%dma_wait3A_36, %dma_wait3A_37] : memref<512x67xf32, #tpu.memory_space<vmem>> -> memref<1x67xf32, #tpu.memory_space<vmem>>
    %dma_wait3A_39 = arith.constant 0 : i32
    %dma_wait3A_40 = arith.constant 0 : i32
    %dma_wait3A_41 = tpu.memref_slice %arg2[%dma_wait3A_39, %dma_wait3A_40] : memref<1000000x67xf32, #tpu.memory_space<hbm>> -> memref<1x67xf32, #tpu.memory_space<hbm>>
    tpu.wait_dma2 semaphore(%arg9 : memref<!tpu.dma_semaphore, #tpu.memory_space<semaphore_mem>>) src(%dma_wait3A_41 : memref<1x67xf32, #tpu.memory_space<hbm>>) dst(%dma_wait3A_38 : memref<1x67xf32, #tpu.memory_space<vmem>>)
    %dma_wait3A_42 = arith.constant 0 : i32
    %dma_wait3A_43 = arith.constant 0 : i32
    %dma_wait3A_44 = tpu.memref_slice %arg6[%dma_wait3A_42, %dma_wait3A_43] : memref<512x67xf32, #tpu.memory_space<vmem>> -> memref<1x67xf32, #tpu.memory_space<vmem>>
    %dma_wait3A_45 = arith.constant 0 : i32
    %dma_wait3A_46 = arith.constant 0 : i32
    %dma_wait3A_47 = tpu.memref_slice %arg2[%dma_wait3A_45, %dma_wait3A_46] : memref<1000000x67xf32, #tpu.memory_space<hbm>> -> memref<1x67xf32, #tpu.memory_space<hbm>>
    %dma_wait3A_48 = arith.constant 0 : i32
    %dma_wait3A_49 = arith.constant 0 : i32
    %dma_wait3A_50 = tpu.memref_slice %arg6[%dma_wait3A_48, %dma_wait3A_49] : memref<512x67xf32, #tpu.memory_space<vmem>> -> memref<1x67xf32, #tpu.memory_space<vmem>>
    %dma_wait3A_51 = arith.constant 0 : i32
    %dma_wait3A_52 = arith.constant 0 : i32
    %dma_wait3A_53 = tpu.memref_slice %arg2[%dma_wait3A_51, %dma_wait3A_52] : memref<1000000x67xf32, #tpu.memory_space<hbm>> -> memref<1x67xf32, #tpu.memory_space<hbm>>
    tpu.wait_dma2 semaphore(%arg10 : memref<!tpu.dma_semaphore, #tpu.memory_space<semaphore_mem>>) src(%dma_wait3A_53 : memref<1x67xf32, #tpu.memory_space<hbm>>) dst(%dma_wait3A_50 : memref<1x67xf32, #tpu.memory_space<vmem>>)
    %dma_wait3A_54 = arith.constant 0 : i32
    %dma_wait3A_55 = arith.constant 0 : i32
    %dma_wait3A_56 = tpu.memref_slice %arg6[%dma_wait3A_54, %dma_wait3A_55] : memref<512x67xf32, #tpu.memory_space<vmem>> -> memref<1x67xf32, #tpu.memory_space<vmem>>
    %dma_wait3A_57 = arith.constant 0 : i32
    %dma_wait3A_58 = arith.constant 0 : i32
    %dma_wait3A_59 = tpu.memref_slice %arg2[%dma_wait3A_57, %dma_wait3A_58] : memref<1000000x67xf32, #tpu.memory_space<hbm>> -> memref<1x67xf32, #tpu.memory_space<hbm>>
    %dma_wait3A_60 = arith.constant 0 : i32
    %dma_wait3A_61 = arith.constant 0 : i32
    %dma_wait3A_62 = tpu.memref_slice %arg6[%dma_wait3A_60, %dma_wait3A_61] : memref<512x67xf32, #tpu.memory_space<vmem>> -> memref<1x67xf32, #tpu.memory_space<vmem>>
    %dma_wait3A_63 = arith.constant 0 : i32
    %dma_wait3A_64 = arith.constant 0 : i32
    %dma_wait3A_65 = tpu.memref_slice %arg2[%dma_wait3A_63, %dma_wait3A_64] : memref<1000000x67xf32, #tpu.memory_space<hbm>> -> memref<1x67xf32, #tpu.memory_space<hbm>>
    tpu.wait_dma2 semaphore(%arg7 : memref<!tpu.dma_semaphore, #tpu.memory_space<semaphore_mem>>) src(%dma_wait3A_65 : memref<1x67xf32, #tpu.memory_space<hbm>>) dst(%dma_wait3A_62 : memref<1x67xf32, #tpu.memory_space<vmem>>)
    %dma_wait3A_66 = arith.constant 0 : i32
    %dma_wait3A_67 = arith.constant 0 : i32
    %dma_wait3A_68 = tpu.memref_slice %arg6[%dma_wait3A_66, %dma_wait3A_67] : memref<512x67xf32, #tpu.memory_space<vmem>> -> memref<1x67xf32, #tpu.memory_space<vmem>>
    %dma_wait3A_69 = arith.constant 0 : i32
    %dma_wait3A_70 = arith.constant 0 : i32
    %dma_wait3A_71 = tpu.memref_slice %arg2[%dma_wait3A_69, %dma_wait3A_70] : memref<1000000x67xf32, #tpu.memory_space<hbm>> -> memref<1x67xf32, #tpu.memory_space<hbm>>
    %dma_wait3A_72 = arith.constant 0 : i32
    %dma_wait3A_73 = arith.constant 0 : i32
    %dma_wait3A_74 = tpu.memref_slice %arg6[%dma_wait3A_72, %dma_wait3A_73] : memref<512x67xf32, #tpu.memory_space<vmem>> -> memref<1x67xf32, #tpu.memory_space<vmem>>
    %dma_wait3A_75 = arith.constant 0 : i32
    %dma_wait3A_76 = arith.constant 0 : i32
    %dma_wait3A_77 = tpu.memref_slice %arg2[%dma_wait3A_75, %dma_wait3A_76] : memref<1000000x67xf32, #tpu.memory_space<hbm>> -> memref<1x67xf32, #tpu.memory_space<hbm>>
    tpu.wait_dma2 semaphore(%arg8 : memref<!tpu.dma_semaphore, #tpu.memory_space<semaphore_mem>>) src(%dma_wait3A_77 : memref<1x67xf32, #tpu.memory_space<hbm>>) dst(%dma_wait3A_74 : memref<1x67xf32, #tpu.memory_space<vmem>>)
    %dma_wait3A_78 = arith.constant 0 : i32
    %dma_wait3A_79 = arith.constant 0 : i32
    %dma_wait3A_80 = tpu.memref_slice %arg6[%dma_wait3A_78, %dma_wait3A_79] : memref<512x67xf32, #tpu.memory_space<vmem>> -> memref<1x67xf32, #tpu.memory_space<vmem>>
    %dma_wait3A_81 = arith.constant 0 : i32
    %dma_wait3A_82 = arith.constant 0 : i32
    %dma_wait3A_83 = tpu.memref_slice %arg2[%dma_wait3A_81, %dma_wait3A_82] : memref<1000000x67xf32, #tpu.memory_space<hbm>> -> memref<1x67xf32, #tpu.memory_space<hbm>>
    %dma_wait3A_84 = arith.constant 0 : i32
    %dma_wait3A_85 = arith.constant 0 : i32
    %dma_wait3A_86 = tpu.memref_slice %arg6[%dma_wait3A_84, %dma_wait3A_85] : memref<512x67xf32, #tpu.memory_space<vmem>> -> memref<1x67xf32, #tpu.memory_space<vmem>>
    %dma_wait3A_87 = arith.constant 0 : i32
    %dma_wait3A_88 = arith.constant 0 : i32
    %dma_wait3A_89 = tpu.memref_slice %arg2[%dma_wait3A_87, %dma_wait3A_88] : memref<1000000x67xf32, #tpu.memory_space<hbm>> -> memref<1x67xf32, #tpu.memory_space<hbm>>
    tpu.wait_dma2 semaphore(%arg9 : memref<!tpu.dma_semaphore, #tpu.memory_space<semaphore_mem>>) src(%dma_wait3A_89 : memref<1x67xf32, #tpu.memory_space<hbm>>) dst(%dma_wait3A_86 : memref<1x67xf32, #tpu.memory_space<vmem>>)
    %dma_wait3A_90 = arith.constant 0 : i32
    %dma_wait3A_91 = arith.constant 0 : i32
    %dma_wait3A_92 = tpu.memref_slice %arg6[%dma_wait3A_90, %dma_wait3A_91] : memref<512x67xf32, #tpu.memory_space<vmem>> -> memref<1x67xf32, #tpu.memory_space<vmem>>
    %dma_wait3A_93 = arith.constant 0 : i32
    %dma_wait3A_94 = arith.constant 0 : i32
    %dma_wait3A_95 = tpu.memref_slice %arg2[%dma_wait3A_93, %dma_wait3A_94] : memref<1000000x67xf32, #tpu.memory_space<hbm>> -> memref<1x67xf32, #tpu.memory_space<hbm>>
    %dma_wait3A_96 = arith.constant 0 : i32
    %dma_wait3A_97 = arith.constant 0 : i32
    %dma_wait3A_98 = tpu.memref_slice %arg6[%dma_wait3A_96, %dma_wait3A_97] : memref<512x67xf32, #tpu.memory_space<vmem>> -> memref<1x67xf32, #tpu.memory_space<vmem>>
    %dma_wait3A_99 = arith.constant 0 : i32
    %dma_wait3A_100 = arith.constant 0 : i32
    %dma_wait3A_101 = tpu.memref_slice %arg2[%dma_wait3A_99, %dma_wait3A_100] : memref<1000000x67xf32, #tpu.memory_space<hbm>> -> memref<1x67xf32, #tpu.memory_space<hbm>>
    tpu.wait_dma2 semaphore(%arg10 : memref<!tpu.dma_semaphore, #tpu.memory_space<semaphore_mem>>) src(%dma_wait3A_101 : memref<1x67xf32, #tpu.memory_space<hbm>>) dst(%dma_wait3A_98 : memref<1x67xf32, #tpu.memory_space<vmem>>)
    %dma_wait3A_102 = arith.constant 0 : i32
    %dma_wait3A_103 = arith.constant 0 : i32
    %dma_wait3A_104 = tpu.memref_slice %arg6[%dma_wait3A_102, %dma_wait3A_103] : memref<512x67xf32, #tpu.memory_space<vmem>> -> memref<1x67xf32, #tpu.memory_space<vmem>>
    %dma_wait3A_105 = arith.constant 0 : i32
    %dma_wait3A_106 = arith.constant 0 : i32
    %dma_wait3A_107 = tpu.memref_slice %arg2[%dma_wait3A_105, %dma_wait3A_106] : memref<1000000x67xf32, #tpu.memory_space<hbm>> -> memref<1x67xf32, #tpu.memory_space<hbm>>
    %dma_wait3A_108 = arith.constant 0 : i32
    %dma_wait3A_109 = arith.constant 0 : i32
    %dma_wait3A_110 = tpu.memref_slice %arg6[%dma_wait3A_108, %dma_wait3A_109] : memref<512x67xf32, #tpu.memory_space<vmem>> -> memref<1x67xf32, #tpu.memory_space<vmem>>
    %dma_wait3A_111 = arith.constant 0 : i32
    %dma_wait3A_112 = arith.constant 0 : i32
    %dma_wait3A_113 = tpu.memref_slice %arg2[%dma_wait3A_111, %dma_wait3A_112] : memref<1000000x67xf32, #tpu.memory_space<hbm>> -> memref<1x67xf32, #tpu.memory_space<hbm>>
    tpu.wait_dma2 semaphore(%arg7 : memref<!tpu.dma_semaphore, #tpu.memory_space<semaphore_mem>>) src(%dma_wait3A_113 : memref<1x67xf32, #tpu.memory_space<hbm>>) dst(%dma_wait3A_110 : memref<1x67xf32, #tpu.memory_space<vmem>>)
    %dma_wait3A_114 = arith.constant 0 : i32
    %dma_wait3A_115 = arith.constant 0 : i32
    %dma_wait3A_116 = tpu.memref_slice %arg6[%dma_wait3A_114, %dma_wait3A_115] : memref<512x67xf32, #tpu.memory_space<vmem>> -> memref<1x67xf32, #tpu.memory_space<vmem>>
    %dma_wait3A_117 = arith.constant 0 : i32
    %dma_wait3A_118 = arith.constant 0 : i32
    %dma_wait3A_119 = tpu.memref_slice %arg2[%dma_wait3A_117, %dma_wait3A_118] : memref<1000000x67xf32, #tpu.memory_space<hbm>> -> memref<1x67xf32, #tpu.memory_space<hbm>>
    %dma_wait3A_120 = arith.constant 0 : i32
    %dma_wait3A_121 = arith.constant 0 : i32
    %dma_wait3A_122 = tpu.memref_slice %arg6[%dma_wait3A_120, %dma_wait3A_121] : memref<512x67xf32, #tpu.memory_space<vmem>> -> memref<1x67xf32, #tpu.memory_space<vmem>>
    %dma_wait3A_123 = arith.constant 0 : i32
    %dma_wait3A_124 = arith.constant 0 : i32
    %dma_wait3A_125 = tpu.memref_slice %arg2[%dma_wait3A_123, %dma_wait3A_124] : memref<1000000x67xf32, #tpu.memory_space<hbm>> -> memref<1x67xf32, #tpu.memory_space<hbm>>
    tpu.wait_dma2 semaphore(%arg8 : memref<!tpu.dma_semaphore, #tpu.memory_space<semaphore_mem>>) src(%dma_wait3A_125 : memref<1x67xf32, #tpu.memory_space<hbm>>) dst(%dma_wait3A_122 : memref<1x67xf32, #tpu.memory_space<vmem>>)
    %dma_wait3A_126 = arith.constant 0 : i32
    %dma_wait3A_127 = arith.constant 0 : i32
    %dma_wait3A_128 = tpu.memref_slice %arg6[%dma_wait3A_126, %dma_wait3A_127] : memref<512x67xf32, #tpu.memory_space<vmem>> -> memref<1x67xf32, #tpu.memory_space<vmem>>
    %dma_wait3A_129 = arith.constant 0 : i32
    %dma_wait3A_130 = arith.constant 0 : i32
    %dma_wait3A_131 = tpu.memref_slice %arg2[%dma_wait3A_129, %dma_wait3A_130] : memref<1000000x67xf32, #tpu.memory_space<hbm>> -> memref<1x67xf32, #tpu.memory_space<hbm>>
    %dma_wait3A_132 = arith.constant 0 : i32
    %dma_wait3A_133 = arith.constant 0 : i32
    %dma_wait3A_134 = tpu.memref_slice %arg6[%dma_wait3A_132, %dma_wait3A_133] : memref<512x67xf32, #tpu.memory_space<vmem>> -> memref<1x67xf32, #tpu.memory_space<vmem>>
    %dma_wait3A_135 = arith.constant 0 : i32
    %dma_wait3A_136 = arith.constant 0 : i32
    %dma_wait3A_137 = tpu.memref_slice %arg2[%dma_wait3A_135, %dma_wait3A_136] : memref<1000000x67xf32, #tpu.memory_space<hbm>> -> memref<1x67xf32, #tpu.memory_space<hbm>>
    tpu.wait_dma2 semaphore(%arg9 : memref<!tpu.dma_semaphore, #tpu.memory_space<semaphore_mem>>) src(%dma_wait3A_137 : memref<1x67xf32, #tpu.memory_space<hbm>>) dst(%dma_wait3A_134 : memref<1x67xf32, #tpu.memory_space<vmem>>)
    %dma_wait3A_138 = arith.constant 0 : i32
    %dma_wait3A_139 = arith.constant 0 : i32
    %dma_wait3A_140 = tpu.memref_slice %arg6[%dma_wait3A_138, %dma_wait3A_139] : memref<512x67xf32, #tpu.memory_space<vmem>> -> memref<1x67xf32, #tpu.memory_space<vmem>>
    %dma_wait3A_141 = arith.constant 0 : i32
    %dma_wait3A_142 = arith.constant 0 : i32
    %dma_wait3A_143 = tpu.memref_slice %arg2[%dma_wait3A_141, %dma_wait3A_142] : memref<1000000x67xf32, #tpu.memory_space<hbm>> -> memref<1x67xf32, #tpu.memory_space<hbm>>
    %dma_wait3A_144 = arith.constant 0 : i32
    %dma_wait3A_145 = arith.constant 0 : i32
    %dma_wait3A_146 = tpu.memref_slice %arg6[%dma_wait3A_144, %dma_wait3A_145] : memref<512x67xf32, #tpu.memory_space<vmem>> -> memref<1x67xf32, #tpu.memory_space<vmem>>
    %dma_wait3A_147 = arith.constant 0 : i32
    %dma_wait3A_148 = arith.constant 0 : i32
    %dma_wait3A_149 = tpu.memref_slice %arg2[%dma_wait3A_147, %dma_wait3A_148] : memref<1000000x67xf32, #tpu.memory_space<hbm>> -> memref<1x67xf32, #tpu.memory_space<hbm>>
    tpu.wait_dma2 semaphore(%arg10 : memref<!tpu.dma_semaphore, #tpu.memory_space<semaphore_mem>>) src(%dma_wait3A_149 : memref<1x67xf32, #tpu.memory_space<hbm>>) dst(%dma_wait3A_146 : memref<1x67xf32, #tpu.memory_space<vmem>>)
    %dma_wait3A_150 = arith.constant 0 : i32
    %dma_wait3A_151 = arith.constant 0 : i32
    %dma_wait3A_152 = tpu.memref_slice %arg6[%dma_wait3A_150, %dma_wait3A_151] : memref<512x67xf32, #tpu.memory_space<vmem>> -> memref<1x67xf32, #tpu.memory_space<vmem>>
    %dma_wait3A_153 = arith.constant 0 : i32
    %dma_wait3A_154 = arith.constant 0 : i32
    %dma_wait3A_155 = tpu.memref_slice %arg2[%dma_wait3A_153, %dma_wait3A_154] : memref<1000000x67xf32, #tpu.memory_space<hbm>> -> memref<1x67xf32, #tpu.memory_space<hbm>>
    %dma_wait3A_156 = arith.constant 0 : i32
    %dma_wait3A_157 = arith.constant 0 : i32
    %dma_wait3A_158 = tpu.memref_slice %arg6[%dma_wait3A_156, %dma_wait3A_157] : memref<512x67xf32, #tpu.memory_space<vmem>> -> memref<1x67xf32, #tpu.memory_space<vmem>>
    %dma_wait3A_159 = arith.constant 0 : i32
    %dma_wait3A_160 = arith.constant 0 : i32
    %dma_wait3A_161 = tpu.memref_slice %arg2[%dma_wait3A_159, %dma_wait3A_160] : memref<1000000x67xf32, #tpu.memory_space<hbm>> -> memref<1x67xf32, #tpu.memory_space<hbm>>
    tpu.wait_dma2 semaphore(%arg7 : memref<!tpu.dma_semaphore, #tpu.memory_space<semaphore_mem>>) src(%dma_wait3A_161 : memref<1x67xf32, #tpu.memory_space<hbm>>) dst(%dma_wait3A_158 : memref<1x67xf32, #tpu.memory_space<vmem>>)
    %dma_wait3A_162 = arith.constant 0 : i32
    %dma_wait3A_163 = arith.constant 0 : i32
    %dma_wait3A_164 = tpu.memref_slice %arg6[%dma_wait3A_162, %dma_wait3A_163] : memref<512x67xf32, #tpu.memory_space<vmem>> -> memref<1x67xf32, #tpu.memory_space<vmem>>
    %dma_wait3A_165 = arith.constant 0 : i32
    %dma_wait3A_166 = arith.constant 0 : i32
    %dma_wait3A_167 = tpu.memref_slice %arg2[%dma_wait3A_165, %dma_wait3A_166] : memref<1000000x67xf32, #tpu.memory_space<hbm>> -> memref<1x67xf32, #tpu.memory_space<hbm>>
    %dma_wait3A_168 = arith.constant 0 : i32
    %dma_wait3A_169 = arith.constant 0 : i32
    %dma_wait3A_170 = tpu.memref_slice %arg6[%dma_wait3A_168, %dma_wait3A_169] : memref<512x67xf32, #tpu.memory_space<vmem>> -> memref<1x67xf32, #tpu.memory_space<vmem>>
    %dma_wait3A_171 = arith.constant 0 : i32
    %dma_wait3A_172 = arith.constant 0 : i32
    %dma_wait3A_173 = tpu.memref_slice %arg2[%dma_wait3A_171, %dma_wait3A_172] : memref<1000000x67xf32, #tpu.memory_space<hbm>> -> memref<1x67xf32, #tpu.memory_space<hbm>>
    tpu.wait_dma2 semaphore(%arg8 : memref<!tpu.dma_semaphore, #tpu.memory_space<semaphore_mem>>) src(%dma_wait3A_173 : memref<1x67xf32, #tpu.memory_space<hbm>>) dst(%dma_wait3A_170 : memref<1x67xf32, #tpu.memory_space<vmem>>)
    %dma_wait3A_174 = arith.constant 0 : i32
    %dma_wait3A_175 = arith.constant 0 : i32
    %dma_wait3A_176 = tpu.memref_slice %arg6[%dma_wait3A_174, %dma_wait3A_175] : memref<512x67xf32, #tpu.memory_space<vmem>> -> memref<1x67xf32, #tpu.memory_space<vmem>>
    %dma_wait3A_177 = arith.constant 0 : i32
    %dma_wait3A_178 = arith.constant 0 : i32
    %dma_wait3A_179 = tpu.memref_slice %arg2[%dma_wait3A_177, %dma_wait3A_178] : memref<1000000x67xf32, #tpu.memory_space<hbm>> -> memref<1x67xf32, #tpu.memory_space<hbm>>
    %dma_wait3A_180 = arith.constant 0 : i32
    %dma_wait3A_181 = arith.constant 0 : i32
    %dma_wait3A_182 = tpu.memref_slice %arg6[%dma_wait3A_180, %dma_wait3A_181] : memref<512x67xf32, #tpu.memory_space<vmem>> -> memref<1x67xf32, #tpu.memory_space<vmem>>
    %dma_wait3A_183 = arith.constant 0 : i32
    %dma_wait3A_184 = arith.constant 0 : i32
    %dma_wait3A_185 = tpu.memref_slice %arg2[%dma_wait3A_183, %dma_wait3A_184] : memref<1000000x67xf32, #tpu.memory_space<hbm>> -> memref<1x67xf32, #tpu.memory_space<hbm>>
    tpu.wait_dma2 semaphore(%arg9 : memref<!tpu.dma_semaphore, #tpu.memory_space<semaphore_mem>>) src(%dma_wait3A_185 : memref<1x67xf32, #tpu.memory_space<hbm>>) dst(%dma_wait3A_182 : memref<1x67xf32, #tpu.memory_space<vmem>>)
    %dma_wait3A_186 = arith.constant 0 : i32
    %dma_wait3A_187 = arith.constant 0 : i32
    %dma_wait3A_188 = tpu.memref_slice %arg6[%dma_wait3A_186, %dma_wait3A_187] : memref<512x67xf32, #tpu.memory_space<vmem>> -> memref<1x67xf32, #tpu.memory_space<vmem>>
    %dma_wait3A_189 = arith.constant 0 : i32
    %dma_wait3A_190 = arith.constant 0 : i32
    %dma_wait3A_191 = tpu.memref_slice %arg2[%dma_wait3A_189, %dma_wait3A_190] : memref<1000000x67xf32, #tpu.memory_space<hbm>> -> memref<1x67xf32, #tpu.memory_space<hbm>>
    %dma_wait3A_192 = arith.constant 0 : i32
    %dma_wait3A_193 = arith.constant 0 : i32
    %dma_wait3A_194 = tpu.memref_slice %arg6[%dma_wait3A_192, %dma_wait3A_193] : memref<512x67xf32, #tpu.memory_space<vmem>> -> memref<1x67xf32, #tpu.memory_space<vmem>>
    %dma_wait3A_195 = arith.constant 0 : i32
    %dma_wait3A_196 = arith.constant 0 : i32
    %dma_wait3A_197 = tpu.memref_slice %arg2[%dma_wait3A_195, %dma_wait3A_196] : memref<1000000x67xf32, #tpu.memory_space<hbm>> -> memref<1x67xf32, #tpu.memory_space<hbm>>
    tpu.wait_dma2 semaphore(%arg10 : memref<!tpu.dma_semaphore, #tpu.memory_space<semaphore_mem>>) src(%dma_wait3A_197 : memref<1x67xf32, #tpu.memory_space<hbm>>) dst(%dma_wait3A_194 : memref<1x67xf32, #tpu.memory_space<vmem>>)
    %dma_wait3A_198 = arith.constant 0 : i32
    %dma_wait3A_199 = arith.constant 0 : i32
    %dma_wait3A_200 = tpu.memref_slice %arg6[%dma_wait3A_198, %dma_wait3A_199] : memref<512x67xf32, #tpu.memory_space<vmem>> -> memref<1x67xf32, #tpu.memory_space<vmem>>
    %dma_wait3A_201 = arith.constant 0 : i32
    %dma_wait3A_202 = arith.constant 0 : i32
    %dma_wait3A_203 = tpu.memref_slice %arg2[%dma_wait3A_201, %dma_wait3A_202] : memref<1000000x67xf32, #tpu.memory_space<hbm>> -> memref<1x67xf32, #tpu.memory_space<hbm>>
    %dma_wait3A_204 = arith.constant 0 : i32
    %dma_wait3A_205 = arith.constant 0 : i32
    %dma_wait3A_206 = tpu.memref_slice %arg6[%dma_wait3A_204, %dma_wait3A_205] : memref<512x67xf32, #tpu.memory_space<vmem>> -> memref<1x67xf32, #tpu.memory_space<vmem>>
    %dma_wait3A_207 = arith.constant 0 : i32
    %dma_wait3A_208 = arith.constant 0 : i32
    %dma_wait3A_209 = tpu.memref_slice %arg2[%dma_wait3A_207, %dma_wait3A_208] : memref<1000000x67xf32, #tpu.memory_space<hbm>> -> memref<1x67xf32, #tpu.memory_space<hbm>>
    tpu.wait_dma2 semaphore(%arg7 : memref<!tpu.dma_semaphore, #tpu.memory_space<semaphore_mem>>) src(%dma_wait3A_209 : memref<1x67xf32, #tpu.memory_space<hbm>>) dst(%dma_wait3A_206 : memref<1x67xf32, #tpu.memory_space<vmem>>)
    %dma_wait3A_210 = arith.constant 0 : i32
    %dma_wait3A_211 = arith.constant 0 : i32
    %dma_wait3A_212 = tpu.memref_slice %arg6[%dma_wait3A_210, %dma_wait3A_211] : memref<512x67xf32, #tpu.memory_space<vmem>> -> memref<1x67xf32, #tpu.memory_space<vmem>>
    %dma_wait3A_213 = arith.constant 0 : i32
    %dma_wait3A_214 = arith.constant 0 : i32
    %dma_wait3A_215 = tpu.memref_slice %arg2[%dma_wait3A_213, %dma_wait3A_214] : memref<1000000x67xf32, #tpu.memory_space<hbm>> -> memref<1x67xf32, #tpu.memory_space<hbm>>
    %dma_wait3A_216 = arith.constant 0 : i32
    %dma_wait3A_217 = arith.constant 0 : i32
    %dma_wait3A_218 = tpu.memref_slice %arg6[%dma_wait3A_216, %dma_wait3A_217] : memref<512x67xf32, #tpu.memory_space<vmem>> -> memref<1x67xf32, #tpu.memory_space<vmem>>
    %dma_wait3A_219 = arith.constant 0 : i32
    %dma_wait3A_220 = arith.constant 0 : i32
    %dma_wait3A_221 = tpu.memref_slice %arg2[%dma_wait3A_219, %dma_wait3A_220] : memref<1000000x67xf32, #tpu.memory_space<hbm>> -> memref<1x67xf32, #tpu.memory_space<hbm>>
    tpu.wait_dma2 semaphore(%arg8 : memref<!tpu.dma_semaphore, #tpu.memory_space<semaphore_mem>>) src(%dma_wait3A_221 : memref<1x67xf32, #tpu.memory_space<hbm>>) dst(%dma_wait3A_218 : memref<1x67xf32, #tpu.memory_space<vmem>>)
    %dma_wait3A_222 = arith.constant 0 : i32
    %dma_wait3A_223 = arith.constant 0 : i32
    %dma_wait3A_224 = tpu.memref_slice %arg6[%dma_wait3A_222, %dma_wait3A_223] : memref<512x67xf32, #tpu.memory_space<vmem>> -> memref<1x67xf32, #tpu.memory_space<vmem>>
    %dma_wait3A_225 = arith.constant 0 : i32
    %dma_wait3A_226 = arith.constant 0 : i32
    %dma_wait3A_227 = tpu.memref_slice %arg2[%dma_wait3A_225, %dma_wait3A_226] : memref<1000000x67xf32, #tpu.memory_space<hbm>> -> memref<1x67xf32, #tpu.memory_space<hbm>>
    %dma_wait3A_228 = arith.constant 0 : i32
    %dma_wait3A_229 = arith.constant 0 : i32
    %dma_wait3A_230 = tpu.memref_slice %arg6[%dma_wait3A_228, %dma_wait3A_229] : memref<512x67xf32, #tpu.memory_space<vmem>> -> memref<1x67xf32, #tpu.memory_space<vmem>>
    %dma_wait3A_231 = arith.constant 0 : i32
    %dma_wait3A_232 = arith.constant 0 : i32
    %dma_wait3A_233 = tpu.memref_slice %arg2[%dma_wait3A_231, %dma_wait3A_232] : memref<1000000x67xf32, #tpu.memory_space<hbm>> -> memref<1x67xf32, #tpu.memory_space<hbm>>
    tpu.wait_dma2 semaphore(%arg9 : memref<!tpu.dma_semaphore, #tpu.memory_space<semaphore_mem>>) src(%dma_wait3A_233 : memref<1x67xf32, #tpu.memory_space<hbm>>) dst(%dma_wait3A_230 : memref<1x67xf32, #tpu.memory_space<vmem>>)
    %dma_wait3A_234 = arith.constant 0 : i32
    %dma_wait3A_235 = arith.constant 0 : i32
    %dma_wait3A_236 = tpu.memref_slice %arg6[%dma_wait3A_234, %dma_wait3A_235] : memref<512x67xf32, #tpu.memory_space<vmem>> -> memref<1x67xf32, #tpu.memory_space<vmem>>
    %dma_wait3A_237 = arith.constant 0 : i32
    %dma_wait3A_238 = arith.constant 0 : i32
    %dma_wait3A_239 = tpu.memref_slice %arg2[%dma_wait3A_237, %dma_wait3A_238] : memref<1000000x67xf32, #tpu.memory_space<hbm>> -> memref<1x67xf32, #tpu.memory_space<hbm>>
    %dma_wait3A_240 = arith.constant 0 : i32
    %dma_wait3A_241 = arith.constant 0 : i32
    %dma_wait3A_242 = tpu.memref_slice %arg6[%dma_wait3A_240, %dma_wait3A_241] : memref<512x67xf32, #tpu.memory_space<vmem>> -> memref<1x67xf32, #tpu.memory_space<vmem>>
    %dma_wait3A_243 = arith.constant 0 : i32
    %dma_wait3A_244 = arith.constant 0 : i32
    %dma_wait3A_245 = tpu.memref_slice %arg2[%dma_wait3A_243, %dma_wait3A_244] : memref<1000000x67xf32, #tpu.memory_space<hbm>> -> memref<1x67xf32, #tpu.memory_space<hbm>>
    tpu.wait_dma2 semaphore(%arg10 : memref<!tpu.dma_semaphore, #tpu.memory_space<semaphore_mem>>) src(%dma_wait3A_245 : memref<1x67xf32, #tpu.memory_space<hbm>>) dst(%dma_wait3A_242 : memref<1x67xf32, #tpu.memory_space<vmem>>)
    %dma_wait3A_246 = arith.constant 0 : i32
    %dma_wait3A_247 = arith.constant 0 : i32
    %dma_wait3A_248 = tpu.memref_slice %arg6[%dma_wait3A_246, %dma_wait3A_247] : memref<512x67xf32, #tpu.memory_space<vmem>> -> memref<1x67xf32, #tpu.memory_space<vmem>>
    %dma_wait3A_249 = arith.constant 0 : i32
    %dma_wait3A_250 = arith.constant 0 : i32
    %dma_wait3A_251 = tpu.memref_slice %arg2[%dma_wait3A_249, %dma_wait3A_250] : memref<1000000x67xf32, #tpu.memory_space<hbm>> -> memref<1x67xf32, #tpu.memory_space<hbm>>
    %dma_wait3A_252 = arith.constant 0 : i32
    %dma_wait3A_253 = arith.constant 0 : i32
    %dma_wait3A_254 = tpu.memref_slice %arg6[%dma_wait3A_252, %dma_wait3A_253] : memref<512x67xf32, #tpu.memory_space<vmem>> -> memref<1x67xf32, #tpu.memory_space<vmem>>
    %dma_wait3A_255 = arith.constant 0 : i32
    %dma_wait3A_256 = arith.constant 0 : i32
    %dma_wait3A_257 = tpu.memref_slice %arg2[%dma_wait3A_255, %dma_wait3A_256] : memref<1000000x67xf32, #tpu.memory_space<hbm>> -> memref<1x67xf32, #tpu.memory_space<hbm>>
    tpu.wait_dma2 semaphore(%arg7 : memref<!tpu.dma_semaphore, #tpu.memory_space<semaphore_mem>>) src(%dma_wait3A_257 : memref<1x67xf32, #tpu.memory_space<hbm>>) dst(%dma_wait3A_254 : memref<1x67xf32, #tpu.memory_space<vmem>>)
    %dma_wait3A_258 = arith.constant 0 : i32
    %dma_wait3A_259 = arith.constant 0 : i32
    %dma_wait3A_260 = tpu.memref_slice %arg6[%dma_wait3A_258, %dma_wait3A_259] : memref<512x67xf32, #tpu.memory_space<vmem>> -> memref<1x67xf32, #tpu.memory_space<vmem>>
    %dma_wait3A_261 = arith.constant 0 : i32
    %dma_wait3A_262 = arith.constant 0 : i32
    %dma_wait3A_263 = tpu.memref_slice %arg2[%dma_wait3A_261, %dma_wait3A_262] : memref<1000000x67xf32, #tpu.memory_space<hbm>> -> memref<1x67xf32, #tpu.memory_space<hbm>>
    %dma_wait3A_264 = arith.constant 0 : i32
    %dma_wait3A_265 = arith.constant 0 : i32
    %dma_wait3A_266 = tpu.memref_slice %arg6[%dma_wait3A_264, %dma_wait3A_265] : memref<512x67xf32, #tpu.memory_space<vmem>> -> memref<1x67xf32, #tpu.memory_space<vmem>>
    %dma_wait3A_267 = arith.constant 0 : i32
    %dma_wait3A_268 = arith.constant 0 : i32
    %dma_wait3A_269 = tpu.memref_slice %arg2[%dma_wait3A_267, %dma_wait3A_268] : memref<1000000x67xf32, #tpu.memory_space<hbm>> -> memref<1x67xf32, #tpu.memory_space<hbm>>
    tpu.wait_dma2 semaphore(%arg8 : memref<!tpu.dma_semaphore, #tpu.memory_space<semaphore_mem>>) src(%dma_wait3A_269 : memref<1x67xf32, #tpu.memory_space<hbm>>) dst(%dma_wait3A_266 : memref<1x67xf32, #tpu.memory_space<vmem>>)
    %dma_wait3A_270 = arith.constant 0 : i32
    %dma_wait3A_271 = arith.constant 0 : i32
    %dma_wait3A_272 = tpu.memref_slice %arg6[%dma_wait3A_270, %dma_wait3A_271] : memref<512x67xf32, #tpu.memory_space<vmem>> -> memref<1x67xf32, #tpu.memory_space<vmem>>
    %dma_wait3A_273 = arith.constant 0 : i32
    %dma_wait3A_274 = arith.constant 0 : i32
    %dma_wait3A_275 = tpu.memref_slice %arg2[%dma_wait3A_273, %dma_wait3A_274] : memref<1000000x67xf32, #tpu.memory_space<hbm>> -> memref<1x67xf32, #tpu.memory_space<hbm>>
    %dma_wait3A_276 = arith.constant 0 : i32
    %dma_wait3A_277 = arith.constant 0 : i32
    %dma_wait3A_278 = tpu.memref_slice %arg6[%dma_wait3A_276, %dma_wait3A_277] : memref<512x67xf32, #tpu.memory_space<vmem>> -> memref<1x67xf32, #tpu.memory_space<vmem>>
    %dma_wait3A_279 = arith.constant 0 : i32
    %dma_wait3A_280 = arith.constant 0 : i32
    %dma_wait3A_281 = tpu.memref_slice %arg2[%dma_wait3A_279, %dma_wait3A_280] : memref<1000000x67xf32, #tpu.memory_space<hbm>> -> memref<1x67xf32, #tpu.memory_space<hbm>>
    tpu.wait_dma2 semaphore(%arg9 : memref<!tpu.dma_semaphore, #tpu.memory_space<semaphore_mem>>) src(%dma_wait3A_281 : memref<1x67xf32, #tpu.memory_space<hbm>>) dst(%dma_wait3A_278 : memref<1x67xf32, #tpu.memory_space<vmem>>)
    %dma_wait3A_282 = arith.constant 0 : i32
    %dma_wait3A_283 = arith.constant 0 : i32
    %dma_wait3A_284 = tpu.memref_slice %arg6[%dma_wait3A_282, %dma_wait3A_283] : memref<512x67xf32, #tpu.memory_space<vmem>> -> memref<1x67xf32, #tpu.memory_space<vmem>>
    %dma_wait3A_285 = arith.constant 0 : i32
    %dma_wait3A_286 = arith.constant 0 : i32
    %dma_wait3A_287 = tpu.memref_slice %arg2[%dma_wait3A_285, %dma_wait3A_286] : memref<1000000x67xf32, #tpu.memory_space<hbm>> -> memref<1x67xf32, #tpu.memory_space<hbm>>
    %dma_wait3A_288 = arith.constant 0 : i32
    %dma_wait3A_289 = arith.constant 0 : i32
    %dma_wait3A_290 = tpu.memref_slice %arg6[%dma_wait3A_288, %dma_wait3A_289] : memref<512x67xf32, #tpu.memory_space<vmem>> -> memref<1x67xf32, #tpu.memory_space<vmem>>
    %dma_wait3A_291 = arith.constant 0 : i32
    %dma_wait3A_292 = arith.constant 0 : i32
    %dma_wait3A_293 = tpu.memref_slice %arg2[%dma_wait3A_291, %dma_wait3A_292] : memref<1000000x67xf32, #tpu.memory_space<hbm>> -> memref<1x67xf32, #tpu.memory_space<hbm>>
    tpu.wait_dma2 semaphore(%arg10 : memref<!tpu.dma_semaphore, #tpu.memory_space<semaphore_mem>>) src(%dma_wait3A_293 : memref<1x67xf32, #tpu.memory_space<hbm>>) dst(%dma_wait3A_290 : memref<1x67xf32, #tpu.memory_space<vmem>>)
    %dma_wait3A_294 = arith.constant 0 : i32
    %dma_wait3A_295 = arith.constant 0 : i32
    %dma_wait3A_296 = tpu.memref_slice %arg6[%dma_wait3A_294, %dma_wait3A_295] : memref<512x67xf32, #tpu.memory_space<vmem>> -> memref<1x67xf32, #tpu.memory_space<vmem>>
    %dma_wait3A_297 = arith.constant 0 : i32
    %dma_wait3A_298 = arith.constant 0 : i32
    %dma_wait3A_299 = tpu.memref_slice %arg2[%dma_wait3A_297, %dma_wait3A_298] : memref<1000000x67xf32, #tpu.memory_space<hbm>> -> memref<1x67xf32, #tpu.memory_space<hbm>>
    %dma_wait3A_300 = arith.constant 0 : i32
    %dma_wait3A_301 = arith.constant 0 : i32
    %dma_wait3A_302 = tpu.memref_slice %arg6[%dma_wait3A_300, %dma_wait3A_301] : memref<512x67xf32, #tpu.memory_space<vmem>> -> memref<1x67xf32, #tpu.memory_space<vmem>>
    %dma_wait3A_303 = arith.constant 0 : i32
    %dma_wait3A_304 = arith.constant 0 : i32
    %dma_wait3A_305 = tpu.memref_slice %arg2[%dma_wait3A_303, %dma_wait3A_304] : memref<1000000x67xf32, #tpu.memory_space<hbm>> -> memref<1x67xf32, #tpu.memory_space<hbm>>
    tpu.wait_dma2 semaphore(%arg7 : memref<!tpu.dma_semaphore, #tpu.memory_space<semaphore_mem>>) src(%dma_wait3A_305 : memref<1x67xf32, #tpu.memory_space<hbm>>) dst(%dma_wait3A_302 : memref<1x67xf32, #tpu.memory_space<vmem>>)
    %dma_wait3A_306 = arith.constant 0 : i32
    %dma_wait3A_307 = arith.constant 0 : i32
    %dma_wait3A_308 = tpu.memref_slice %arg6[%dma_wait3A_306, %dma_wait3A_307] : memref<512x67xf32, #tpu.memory_space<vmem>> -> memref<1x67xf32, #tpu.memory_space<vmem>>
    %dma_wait3A_309 = arith.constant 0 : i32
    %dma_wait3A_310 = arith.constant 0 : i32
    %dma_wait3A_311 = tpu.memref_slice %arg2[%dma_wait3A_309, %dma_wait3A_310] : memref<1000000x67xf32, #tpu.memory_space<hbm>> -> memref<1x67xf32, #tpu.memory_space<hbm>>
    %dma_wait3A_312 = arith.constant 0 : i32
    %dma_wait3A_313 = arith.constant 0 : i32
    %dma_wait3A_314 = tpu.memref_slice %arg6[%dma_wait3A_312, %dma_wait3A_313] : memref<512x67xf32, #tpu.memory_space<vmem>> -> memref<1x67xf32, #tpu.memory_space<vmem>>
    %dma_wait3A_315 = arith.constant 0 : i32
    %dma_wait3A_316 = arith.constant 0 : i32
    %dma_wait3A_317 = tpu.memref_slice %arg2[%dma_wait3A_315, %dma_wait3A_316] : memref<1000000x67xf32, #tpu.memory_space<hbm>> -> memref<1x67xf32, #tpu.memory_space<hbm>>
    tpu.wait_dma2 semaphore(%arg8 : memref<!tpu.dma_semaphore, #tpu.memory_space<semaphore_mem>>) src(%dma_wait3A_317 : memref<1x67xf32, #tpu.memory_space<hbm>>) dst(%dma_wait3A_314 : memref<1x67xf32, #tpu.memory_space<vmem>>)
    %dma_wait3A_318 = arith.constant 0 : i32
    %dma_wait3A_319 = arith.constant 0 : i32
    %dma_wait3A_320 = tpu.memref_slice %arg6[%dma_wait3A_318, %dma_wait3A_319] : memref<512x67xf32, #tpu.memory_space<vmem>> -> memref<1x67xf32, #tpu.memory_space<vmem>>
    %dma_wait3A_321 = arith.constant 0 : i32
    %dma_wait3A_322 = arith.constant 0 : i32
    %dma_wait3A_323 = tpu.memref_slice %arg2[%dma_wait3A_321, %dma_wait3A_322] : memref<1000000x67xf32, #tpu.memory_space<hbm>> -> memref<1x67xf32, #tpu.memory_space<hbm>>
    %dma_wait3A_324 = arith.constant 0 : i32
    %dma_wait3A_325 = arith.constant 0 : i32
    %dma_wait3A_326 = tpu.memref_slice %arg6[%dma_wait3A_324, %dma_wait3A_325] : memref<512x67xf32, #tpu.memory_space<vmem>> -> memref<1x67xf32, #tpu.memory_space<vmem>>
    %dma_wait3A_327 = arith.constant 0 : i32
    %dma_wait3A_328 = arith.constant 0 : i32
    %dma_wait3A_329 = tpu.memref_slice %arg2[%dma_wait3A_327, %dma_wait3A_328] : memref<1000000x67xf32, #tpu.memory_space<hbm>> -> memref<1x67xf32, #tpu.memory_space<hbm>>
    tpu.wait_dma2 semaphore(%arg9 : memref<!tpu.dma_semaphore, #tpu.memory_space<semaphore_mem>>) src(%dma_wait3A_329 : memref<1x67xf32, #tpu.memory_space<hbm>>) dst(%dma_wait3A_326 : memref<1x67xf32, #tpu.memory_space<vmem>>)
    %dma_wait3A_330 = arith.constant 0 : i32
    %dma_wait3A_331 = arith.constant 0 : i32
    %dma_wait3A_332 = tpu.memref_slice %arg6[%dma_wait3A_330, %dma_wait3A_331] : memref<512x67xf32, #tpu.memory_space<vmem>> -> memref<1x67xf32, #tpu.memory_space<vmem>>
    %dma_wait3A_333 = arith.constant 0 : i32
    %dma_wait3A_334 = arith.constant 0 : i32
    %dma_wait3A_335 = tpu.memref_slice %arg2[%dma_wait3A_333, %dma_wait3A_334] : memref<1000000x67xf32, #tpu.memory_space<hbm>> -> memref<1x67xf32, #tpu.memory_space<hbm>>
    %dma_wait3A_336 = arith.constant 0 : i32
    %dma_wait3A_337 = arith.constant 0 : i32
    %dma_wait3A_338 = tpu.memref_slice %arg6[%dma_wait3A_336, %dma_wait3A_337] : memref<512x67xf32, #tpu.memory_space<vmem>> -> memref<1x67xf32, #tpu.memory_space<vmem>>
    %dma_wait3A_339 = arith.constant 0 : i32
    %dma_wait3A_340 = arith.constant 0 : i32
    %dma_wait3A_341 = tpu.memref_slice %arg2[%dma_wait3A_339, %dma_wait3A_340] : memref<1000000x67xf32, #tpu.memory_space<hbm>> -> memref<1x67xf32, #tpu.memory_space<hbm>>
    tpu.wait_dma2 semaphore(%arg10 : memref<!tpu.dma_semaphore, #tpu.memory_space<semaphore_mem>>) src(%dma_wait3A_341 : memref<1x67xf32, #tpu.memory_space<hbm>>) dst(%dma_wait3A_338 : memref<1x67xf32, #tpu.memory_space<vmem>>)
    %dma_wait3A_342 = arith.constant 0 : i32
    %dma_wait3A_343 = arith.constant 0 : i32
    %dma_wait3A_344 = tpu.memref_slice %arg6[%dma_wait3A_342, %dma_wait3A_343] : memref<512x67xf32, #tpu.memory_space<vmem>> -> memref<1x67xf32, #tpu.memory_space<vmem>>
    %dma_wait3A_345 = arith.constant 0 : i32
    %dma_wait3A_346 = arith.constant 0 : i32
    %dma_wait3A_347 = tpu.memref_slice %arg2[%dma_wait3A_345, %dma_wait3A_346] : memref<1000000x67xf32, #tpu.memory_space<hbm>> -> memref<1x67xf32, #tpu.memory_space<hbm>>
    %dma_wait3A_348 = arith.constant 0 : i32
    %dma_wait3A_349 = arith.constant 0 : i32
    %dma_wait3A_350 = tpu.memref_slice %arg6[%dma_wait3A_348, %dma_wait3A_349] : memref<512x67xf32, #tpu.memory_space<vmem>> -> memref<1x67xf32, #tpu.memory_space<vmem>>
    %dma_wait3A_351 = arith.constant 0 : i32
    %dma_wait3A_352 = arith.constant 0 : i32
    %dma_wait3A_353 = tpu.memref_slice %arg2[%dma_wait3A_351, %dma_wait3A_352] : memref<1000000x67xf32, #tpu.memory_space<hbm>> -> memref<1x67xf32, #tpu.memory_space<hbm>>
    tpu.wait_dma2 semaphore(%arg7 : memref<!tpu.dma_semaphore, #tpu.memory_space<semaphore_mem>>) src(%dma_wait3A_353 : memref<1x67xf32, #tpu.memory_space<hbm>>) dst(%dma_wait3A_350 : memref<1x67xf32, #tpu.memory_space<vmem>>)
    %dma_wait3A_354 = arith.constant 0 : i32
    %dma_wait3A_355 = arith.constant 0 : i32
    %dma_wait3A_356 = tpu.memref_slice %arg6[%dma_wait3A_354, %dma_wait3A_355] : memref<512x67xf32, #tpu.memory_space<vmem>> -> memref<1x67xf32, #tpu.memory_space<vmem>>
    %dma_wait3A_357 = arith.constant 0 : i32
    %dma_wait3A_358 = arith.constant 0 : i32
    %dma_wait3A_359 = tpu.memref_slice %arg2[%dma_wait3A_357, %dma_wait3A_358] : memref<1000000x67xf32, #tpu.memory_space<hbm>> -> memref<1x67xf32, #tpu.memory_space<hbm>>
    %dma_wait3A_360 = arith.constant 0 : i32
    %dma_wait3A_361 = arith.constant 0 : i32
    %dma_wait3A_362 = tpu.memref_slice %arg6[%dma_wait3A_360, %dma_wait3A_361] : memref<512x67xf32, #tpu.memory_space<vmem>> -> memref<1x67xf32, #tpu.memory_space<vmem>>
    %dma_wait3A_363 = arith.constant 0 : i32
    %dma_wait3A_364 = arith.constant 0 : i32
    %dma_wait3A_365 = tpu.memref_slice %arg2[%dma_wait3A_363, %dma_wait3A_364] : memref<1000000x67xf32, #tpu.memory_space<hbm>> -> memref<1x67xf32, #tpu.memory_space<hbm>>
    tpu.wait_dma2 semaphore(%arg8 : memref<!tpu.dma_semaphore, #tpu.memory_space<semaphore_mem>>) src(%dma_wait3A_365 : memref<1x67xf32, #tpu.memory_space<hbm>>) dst(%dma_wait3A_362 : memref<1x67xf32, #tpu.memory_space<vmem>>)
    %dma_wait3A_366 = arith.constant 0 : i32
    %dma_wait3A_367 = arith.constant 0 : i32
    %dma_wait3A_368 = tpu.memref_slice %arg6[%dma_wait3A_366, %dma_wait3A_367] : memref<512x67xf32, #tpu.memory_space<vmem>> -> memref<1x67xf32, #tpu.memory_space<vmem>>
    %dma_wait3A_369 = arith.constant 0 : i32
    %dma_wait3A_370 = arith.constant 0 : i32
    %dma_wait3A_371 = tpu.memref_slice %arg2[%dma_wait3A_369, %dma_wait3A_370] : memref<1000000x67xf32, #tpu.memory_space<hbm>> -> memref<1x67xf32, #tpu.memory_space<hbm>>
    %dma_wait3A_372 = arith.constant 0 : i32
    %dma_wait3A_373 = arith.constant 0 : i32
    %dma_wait3A_374 = tpu.memref_slice %arg6[%dma_wait3A_372, %dma_wait3A_373] : memref<512x67xf32, #tpu.memory_space<vmem>> -> memref<1x67xf32, #tpu.memory_space<vmem>>
    %dma_wait3A_375 = arith.constant 0 : i32
    %dma_wait3A_376 = arith.constant 0 : i32
    %dma_wait3A_377 = tpu.memref_slice %arg2[%dma_wait3A_375, %dma_wait3A_376] : memref<1000000x67xf32, #tpu.memory_space<hbm>> -> memref<1x67xf32, #tpu.memory_space<hbm>>
    tpu.wait_dma2 semaphore(%arg9 : memref<!tpu.dma_semaphore, #tpu.memory_space<semaphore_mem>>) src(%dma_wait3A_377 : memref<1x67xf32, #tpu.memory_space<hbm>>) dst(%dma_wait3A_374 : memref<1x67xf32, #tpu.memory_space<vmem>>)
    %dma_wait3A_378 = arith.constant 0 : i32
    %dma_wait3A_379 = arith.constant 0 : i32
    %dma_wait3A_380 = tpu.memref_slice %arg6[%dma_wait3A_378, %dma_wait3A_379] : memref<512x67xf32, #tpu.memory_space<vmem>> -> memref<1x67xf32, #tpu.memory_space<vmem>>
    %dma_wait3A_381 = arith.constant 0 : i32
    %dma_wait3A_382 = arith.constant 0 : i32
    %dma_wait3A_383 = tpu.memref_slice %arg2[%dma_wait3A_381, %dma_wait3A_382] : memref<1000000x67xf32, #tpu.memory_space<hbm>> -> memref<1x67xf32, #tpu.memory_space<hbm>>
    %dma_wait3A_384 = arith.constant 0 : i32
    %dma_wait3A_385 = arith.constant 0 : i32
    %dma_wait3A_386 = tpu.memref_slice %arg6[%dma_wait3A_384, %dma_wait3A_385] : memref<512x67xf32, #tpu.memory_space<vmem>> -> memref<1x67xf32, #tpu.memory_space<vmem>>
    %dma_wait3A_387 = arith.constant 0 : i32
    %dma_wait3A_388 = arith.constant 0 : i32
    %dma_wait3A_389 = tpu.memref_slice %arg2[%dma_wait3A_387, %dma_wait3A_388] : memref<1000000x67xf32, #tpu.memory_space<hbm>> -> memref<1x67xf32, #tpu.memory_space<hbm>>
    tpu.wait_dma2 semaphore(%arg10 : memref<!tpu.dma_semaphore, #tpu.memory_space<semaphore_mem>>) src(%dma_wait3A_389 : memref<1x67xf32, #tpu.memory_space<hbm>>) dst(%dma_wait3A_386 : memref<1x67xf32, #tpu.memory_space<vmem>>)
    "tpu.region"() ({
      %run_scoped3A = tpu.sem_alloc : memref<!tpu.dma_semaphore, #tpu.memory_space<semaphore_mem>>
      %dma_start3A = arith.constant 0 : i32
      %dma_start3A_390 = tpu.memref_slice %arg4[%mul3A_2, %dma_start3A] : memref<16384x67xf32, #tpu.memory_space<hbm>> -> memref<512x67xf32, #tpu.memory_space<hbm>>
      %dma_start3A_391 = arith.constant 0 : i32
      %dma_start3A_392 = tpu.memref_slice %arg4[%mul3A_2, %dma_start3A_391] : memref<16384x67xf32, #tpu.memory_space<hbm>> -> memref<512x67xf32, #tpu.memory_space<hbm>>
      tpu.enqueue_dma source(%arg6 : memref<512x67xf32, #tpu.memory_space<vmem>>) target(%dma_start3A_392 : memref<512x67xf32, #tpu.memory_space<hbm>>) target_semaphore(%run_scoped3A : memref<!tpu.dma_semaphore, #tpu.memory_space<semaphore_mem>>)
      %dma_wait3A_393 = arith.constant 0 : i32
      %dma_wait3A_394 = tpu.memref_slice %arg4[%mul3A_2, %dma_wait3A_393] : memref<16384x67xf32, #tpu.memory_space<hbm>> -> memref<512x67xf32, #tpu.memory_space<hbm>>
      %dma_wait3A_395 = arith.constant 0 : i32
      %dma_wait3A_396 = tpu.memref_slice %arg4[%mul3A_2, %dma_wait3A_395] : memref<16384x67xf32, #tpu.memory_space<hbm>> -> memref<512x67xf32, #tpu.memory_space<hbm>>
      tpu.wait_dma2 semaphore(%run_scoped3A : memref<!tpu.dma_semaphore, #tpu.memory_space<semaphore_mem>>) src(%arg6 : memref<512x67xf32, #tpu.memory_space<vmem>>) dst(%dma_wait3A_396 : memref<512x67xf32, #tpu.memory_space<hbm>>)
      tpu.yield
    }) : () -> ()
    return
  }
}

</mosaic_0001>

<sc_bundles>
// kernel: kernel.3.cloned.1.call-start
scs
__scs_entry_jumppad:
0x0: {  	(pc) =	sbr.rel $0x88, $3  }
0x1: {  	(tag) =	ssettag $0x0;
	lr =	simm.s32 $0x1  }
0x2: {  	[smem:$0x3F9F] =	sst lr;
	_ =	strace $0xD0000000  }
0x3: {  	_ = 	snop  }
0x4: {  	_ = 	snop  }
0x5: {  	_ = 	snop  }
0x6: {  	_ = 	snop  }
0x7: {  	_ = 	snop  }
__scs_overlays_trampoline_lowered:
0x8: {  	[smem:$0x3FAE] =	sst s0  }
0x9: {  	[smem:$0x3FAF] =	sst s1  }
0xa: {  	[smem:$0x3FB0] =	sst s2  }
0xb: {  	[smem:$0x3FB1] =	sst s3  }
0xc: {  	[smem:$0x3FB2] =	sst s4  }
0xd: {  	[smem:$0x3FB3] =	sst s5  }
0xe: {  	[smem:$0x3FB4] =	sst s6  }
0xf: {  	[smem:$0x3FB5] =	sst s7  }
0x10: {  	[smem:$0x3FB6] =	sst s8  }
0x11: {  	[smem:$0x3FB7] =	sst s9;
	s0 =	simm.s32 @!p0 $0x0  }
0x12: {  	s1 =	sld [smem:$0x3F9D];
	s0 =	simm.s32 @p0 $0x1  }
0x13: {  	[smem:$0x3FB8] =	sst s0;
	s0 =	simm.s32 @!p1 $0x0  }
0x14: {  	s2 =	sld [smem:$0x3F9C];
	s0 =	simm.s32 @p1 $0x1  }
0x15: {  	[smem:$0x3FB9] =	sst s0;
	s0 =	simm.s32 @!p2 $0x0  }
0x16: {  	s3 =	sld [smem:$0x3FDB];
	s0 =	simm.s32 @p2 $0x1  }
0x17: {  	s4 =	simm.s32 $0x1BF5;
	[smem:$0x3FBB] =	sst s0  }
0x18: {  	s0 =	sld [smem:$0x3F9E];
	_ =	swait.ge [sflag:s4], $0x0  }
0x19: {  	s7 =	sld [smem:$0x3F9F]  }
0x1a: {  	s8 =	sadd.s32 $0xFFFFE003, lr  }
0x1b: {  	s9 =	sadd.s32 $0xFFFFFEF7, lr;
	s5 =	simm.s32 $0xFFFFFFFF;
	p2 =	slt.u32 s8, $0xFFFFF086  }
0x1c: {  	p1 =	slt.u32 s9, $0xF7A;
	s5 =	simm.s32 @!p2 $0x0  }
0x1d: {  	s5 =	simm.s32 @p1 $0x1;
	p0 =	seq.s32 s7, s2  }
0x1e: {  	s7 =	smul.u32 @!p0 $0xF7A, s2;
	p2 =	seq.s32 @!p0 s5, $0x0  }
0x1f: {  	s9 =	smul.u32 $0xF7A, s1;
	s8 =	simm.s32 @!p0 $0x1BF5;
	p2 =	por !p2, p0  }
0x20: {  	[sflag:s8] =	ssyncset.s32 @!p0 $0xFFFFF086;
	s6 =	sadd.s32 @!p0 s3, s7;
	s7 =	simm.s32 @!p0 $0x108  }
0x21: {  	s3 =	sadd.s32 s3, s9;
	s6 =	sadd.s32 @!p0 $0x88, s6;
	s7 =	simm.s32 @p2 $0x1082  }
0x22: {  	[simem:s7], [sflag:s8] =	dma.local @!p0 [hbm:s6], $0xF7A  }
0x23: {  	s9 =	sor.u32 $0xD0000000, s2;
	s6 =	simm.s32 $0x108;
	_ =	swait.ge @!p0 [sflag:s8], $0x0  }
0x24: {  	s3 =	sadd.s32 $0x88, s3;
	s6 =	simm.s32 @!p1 $0x1082;
	[sflag:s4] =	ssyncset.s32 $0xFFFFF086  }
0x25: {  	[simem:s6], [sflag:s4] =	dma.local [hbm:s3], $0xF7A  }
0x26: {  	[smem:$0x3F9F] =	sst s1;
	(tag) =	ssettag s2;
	_ =	strace s9  }
0x27: {  	s1 =	sld [smem:$0x3FAF]  }
0x28: {  	s2 =	sld [smem:$0x3FB0]  }
0x29: {  	s4 =	sld [smem:$0x3FB2]  }
0x2a: {  	p0 =	seq.s32 s5, $0x0;
	s5 =	sld [smem:$0x3FB3]  }
0x2b: {  	s6 =	sld [smem:$0x3FB4]  }
0x2c: {  	s7 =	sld [smem:$0x3FB5]  }
0x2d: {  	s3 =	simm.s32 $0x108;
	s8 =	sld [smem:$0x3FB6]  }
0x2e: {  	s3 =	simm.s32 @!p0 $0x1082;
	s9 =	sld [smem:$0x3FB7]  }
0x2f: {  	lr =	sadd.s32 s0, s3;
	s0 =	sld [smem:$0x3FAE]  }
0x30: {  	s3 =	sld [smem:$0x3FB1]  }
0x31: {  	[smem:$0x3FBA] =	sst s10  }
0x32: {  	s10 =	sld [smem:$0x3FB8];
	_ =	sdelay $0x3  }
0x33: {  	p0 =	seq.s32 s10, $0x1;
	s10 =	sld [smem:$0x3FBA];
	_ =	sdelay $0x3  }
0x34: {  	[smem:$0x3FBA] =	sst s10  }
0x35: {  	s10 =	sld [smem:$0x3FB9];
	_ =	sdelay $0x3  }
0x36: {  	p1 =	seq.s32 s10, $0x1;
	s10 =	sld [smem:$0x3FBA];
	_ =	sdelay $0x3  }
0x37: {  	[smem:$0x3FBA] =	sst s10  }
0x38: {  	s10 =	sld [smem:$0x3FBB]  }
0x39: {  	_ = 	snop;
	(pc) =	sbr.ind lr, $3  }
0x3a: {  	_ = 	snop  }
0x3b: {  	_ = 	snop  }
0x3c: {  	p2 =	seq.s32 s10, $0x1;
	s10 =	sld [smem:$0x3FBA]  }
0x3d: {  	_ =	shalt  }
0x3e: {  	_ =	shalt  }
0x3f: {  	_ =	shalt  }
0x40: {  	_ =	shalt  }
0x41: {  	_ =	shalt  }
0x42: {  	_ =	shalt  }
0x43: {  	_ =	shalt  }
0x44: {  	_ =	shalt  }
0x45: {  	_ =	shalt  }
0x46: {  	_ =	shalt  }
0x47: {  	_ =	shalt  }
0x48: {  	_ =	shalt  }
0x49: {  	_ =	shalt  }
0x4a: {  	_ =	shalt  }
0x4b: {  	_ =	shalt  }
0x4c: {  	_ =	shalt  }
0x4d: {  	_ =	shalt  }
0x4e: {  	_ =	shalt  }
0x4f: {  	_ =	shalt  }
0x50: {  	_ =	shalt  }
0x51: {  	_ =	shalt  }
0x52: {  	_ =	shalt  }
0x53: {  	_ =	shalt  }
0x54: {  	_ =	shalt  }
0x55: {  	_ =	shalt  }
0x56: {  	_ =	shalt  }
0x57: {  	_ =	shalt  }
0x58: {  	_ =	shalt  }
0x59: {  	_ =	shalt  }
0x5a: {  	_ =	shalt  }
0x5b: {  	_ =	shalt  }
0x5c: {  	_ =	shalt  }
0x5d: {  	_ =	shalt  }
0x5e: {  	_ =	shalt  }
0x5f: {  	_ =	shalt  }
0x60: {  	_ =	shalt  }
0x61: {  	_ =	shalt  }
0x62: {  	_ =	shalt  }
0x63: {  	_ =	shalt  }
0x64: {  	_ =	shalt  }
0x65: {  	_ =	shalt  }
0x66: {  	_ =	shalt  }
0x67: {  	_ =	shalt  }
0x68: {  	_ =	shalt  }
0x69: {  	_ =	shalt  }
0x6a: {  	_ =	shalt  }
0x6b: {  	_ =	shalt  }
0x6c: {  	_ =	shalt  }
0x6d: {  	_ =	shalt  }
0x6e: {  	_ =	shalt  }
0x6f: {  	_ =	shalt  }
0x70: {  	_ =	shalt  }
0x71: {  	_ =	shalt  }
0x72: {  	_ =	shalt  }
0x73: {  	_ =	shalt  }
0x74: {  	_ =	shalt  }
0x75: {  	_ =	shalt  }
0x76: {  	_ =	shalt  }
0x77: {  	_ =	shalt  }
0x78: {  	_ =	shalt  }
0x79: {  	_ =	shalt  }
0x7a: {  	_ =	shalt  }
0x7b: {  	_ =	shalt  }
0x7c: {  	_ =	shalt  }
0x7d: {  	_ =	shalt  }
0x7e: {  	_ =	shalt  }
0x7f: {  	_ =	shalt  }
0x80: {  	_ =	shalt  }
0x81: {  	_ =	shalt  }
0x82: {  	_ =	shalt  }
0x83: {  	_ =	shalt  }
0x84: {  	_ =	shalt  }
0x85: {  	_ =	shalt  }
0x86: {  	_ =	shalt  }
0x87: {  	_ =	shalt  }
.Lfunc_end0:
.L_simem_size_0:
called_computation_lowered:
.L_overlay_start_0:
0x88: {  	s2 =	sld [smem:$0x3FD9]  }
0x89: {  	s3 =	sld [smem:$0x3FFE];
	_ =	sdelay $0x1  }
0x8a: {  	s1 =	srdreg.scid  }
0x8b: {  	s0 =	sand.u32 $0x1, s1  }
0x8c: {  	s17 =	sshll.u32 s0, $0xA;
	s2 =	sadd.s32 s3, s2  }
0x8d: {  	s2 =	sadd.s32 s2, s17  }
0x8e: {  	[smem:$0x3FC6] =	sst s2  }
0x8f: {  	_ = 	snop  }
0x90: {  	s2 =	sld [smem:$0x3FC8];
	(tm) =	ssettm $0x1  }
0x91: {  	s18 =	sld [smem:$0x3FFB];
	_ =	sdelay $0x3  }
0x92: {  	_ =	strace s18  }
0x93: {  	s3 =	sld [smem:$0x3FFC];
	_ =	sdelay $0x3  }
0x94: {  	_ =	strace s3  }
0x95: {  	s3 =	sld [smem:$0x3FFD];
	_ =	sdelay $0x3  }
0x96: {  	_ =	strace s3  }
0x97: {  	_ =	strace $0x8FFFFFFF  }
0x98: {  	s19 =	sld [smem:$0x3FDB];
	_ =	sdelay $0x1  }
0x99: {  	s4 =	simm.s32 $_scs_section_size  }
0x9a: {  	s5 =	simm.s32 $_size__tile_overlayer_lowered;
	s6 =	simm.s32 $_tile_overlayer_lowered  }
0x9b: {  	s22 =	simm.s32 $0x1BFF;
	s21 =	sshll.u32 s6, $0x1;
	s3 =	sadd.s32 s4, s19  }
0x9c: {  	s7 =	simm.s32 $0x0;
	s20 =	sshll.u32 s5, $0x1;
	s5 =	sadd.s32 s21, s3  }
0x9d: {  	[timem:s7], [sflag:s22] =	dma.local [hbm:s5], s20  }
0x9e: {  	_ =	swait.ge [sflag:s22], s20  }
0x9f: {  	s4 =	ssub.s32 $0x0, s20;
	[sflag:s22] =	ssyncset.done $0x0  }
0xa0: {  	[sflag:s22] =	ssyncadd.s32 s4;
	_ =	sdelay $0x1  }
0xa1: {  	s23 =	simm.s32 $0x1B8B  }
0xa2: {  	_ =	swait.ge [sflag:s23], $0x1  }
0xa3: {  	[sflag:s23] =	ssyncset.done $0x0  }
0xa4: {  	s25 =	simm.s32 $0x1B8E;
	s24 =	sld [smem:$0x3FFE];
	[sflag:s23] =	ssyncadd.s32 $0xFFFFFFFF  }
0xa5: {  	s26 =	simm.s32 $execute0_lowered;
	[smem:$0x3FD2] =	sst s25  }
0xa6: {  	s5 =	sshll.u32 s26, $0x1;
	_ =	strace $0x80000046;
	[dreg:$0x1] =	wrdreg $0xFFFFFFFF  }
0xa7: {  	s28 =	simm.s32 $_size_execute0_lowered;
	s3 =	sadd.s32 s3, s5;
	[dreg:$0x0] =	wrdreg $0x0  }
0xa8: {  	s5 =	sshll.u32 s28, $0x1;
	[dreg:$0x2] =	wrdreg s3  }
0xa9: {  	[dreg:$0x3] =	wrdreg s5  }
0xaa: {  	[dreg:$0x4] =	wrdreg $0xC0  }
0xab: {  	_ =	task [dreg:s7], $0x5FFFF  }
0xac: {  	[dreg:$0x1] =	wrdreg $0xFFFFFFFF  }
0xad: {  	[dreg:$0x0] =	wrdreg $0x60  }
0xae: {  	[dreg:$0x2] =	wrdreg s24  }
0xaf: {  	[dreg:$0x3] =	wrdreg s2  }
0xb0: {  	[dreg:$0x4] =	wrdreg $0x9  }
0xb1: {  	_ =	task.clear_ibuf [dreg:s7], $0x5FFFF;
	_ =	strace $0x90000046  }
0xb2: {  	s29 =	simm.s32 $0x9;
	_ =	strace $0x80000048  }
0xb3: {  	_ =	swait.ge [sflag:s29], $0x1  }
0xb4: {  	[sflag:s29] =	ssyncadd.s32 $0xFFFFFFFF  }
0xb5: {  	_ =	strace $0x90000048  }
0xb6: {  	_ =	sfence  }
0xb7: {  	s30 =	sld [smem:$0x0];
	_ =	sdelay $0x2  }
0xb8: {  	s31 =	sshll.u32 s1, $0xD;
	s1 =	sshrl.u32 s1, $0x2  }
0xb9: {  	s3 =	sand.u32 $0x4000, s31;
	s1 =	sadd.s32 s1, s30  }
0xba: {  	s0 =	sor.u32 s3, s0;
	s1 =	sshll.u32 s1, $0x11  }
0xbb: {  	s0 =	sor.u32 s1, s0  }
0xbc: {  	s0 =	sadd.s32 $0x8F2B, s0  }
0xbd: {  	[sflag:s0] =	ssyncadd.remote.s32 $0x1  }
0xbe: {  	_ =	sfence.sel $0xFFFF  }
0xbf: {  	[dreg:$0x0] =	wrdreg $0xFFFFFFFF;
	(pc) =	sbr.abs _section_cstart, $3  }
0xc0: {  	[dreg:$0x1] =	wrdreg $0xFFFFFFFF  }
0xc1: {  	_ =	task.clear_ibuf [dreg:s7], $0x2FFFF;
	_ =	strace $0x9FFFFFFF  }
0xc2: {  	(tm) =	ssettm $0x7FFFFFFF  }
0xc3: {  	_ =	shalt  }
tec
execute0_lowered:
.L_overlay_start_1:
0x0: {  	(tag) =	ssettag $0x1  }
0x1: {  	s4 =	rddreg [dreg:$0x0]  }
0x2: {  	s5 =	rddreg [dreg:$0x1]  }
0x3: {  	s0 =	rddreg [dreg:$0x2]  }
0x4: {  	s2 =	simm.s32 $0x0;
	s3 =	srdreg.scid;
	s1 =	stileid.u32  }
0x5: {  	s10 =	simm.s32 $0x3;
	s11 =	simm.s32 $0x4;
	s12 =	simm.s32 $0x200  }
0x6: {  	s13 =	simm.s32 $0x0;
	[smem:$0x7FF] =	sst s2;
	s6 =	sand.u32 $0x1, s3  }
0x7: {  	s7 =	sshll.u32 s1, $0xA;
	s3 =	sadd.s32 $0x400, s4;
	s8 =	sshll.u32 s6, $0x9  }
.Ltmp0:
0x8: {  	s6 =	ssub.s32 $0x2, s6;
	s7 =	sor.u32 s8, s7;
	(pc) =	sbr.rel .LBB2_1-.Ltmp0, $4  }
0x9: {  	_ =	strace $0x80000047;
	s9 =	sshrl.u32 s6, $0x1;
	s8 =	sshll.u32 s7, $0x4  }
0xa: {  	s7 =	sshrl.u32 s7, $0x3;
	s6 =	ssub.s32 s6, s9;
	s9 =	simm.s32 $0x2  }
0xb: {  	s8 =	sadd.s32 s8, s4;
	s4 =	sadd.s32 s5, s7;
	s6 =	smax.u32 s6, $0x1  }
0xc: {  	s7 =	simm.s32 $0x5;
	s5 =	sadd.s32 $0xF42800, s8;
	s8 =	simm.s32 $0x1  }
.LBB2_5:
0xd: {  	_ =	swait.ge [sflag:s8], $0x80  }
0xe: {  	[sflag:s8] =	ssyncset.done $0x0  }
0xf: {  	[sflag:s8] =	ssyncadd.s32 $0xFFFFFF80  }
0x10: {  	_ =	swait.ge [sflag:s9], $0x80  }
0x11: {  	[sflag:s9] =	ssyncset.done $0x0  }
0x12: {  	[sflag:s9] =	ssyncadd.s32 $0xFFFFFF80  }
0x13: {  	_ =	swait.ge [sflag:s10], $0x80  }
0x14: {  	[sflag:s10] =	ssyncset.done $0x0  }
0x15: {  	[sflag:s10] =	ssyncadd.s32 $0xFFFFFF80  }
0x16: {  	_ =	swait.ge [sflag:s11], $0x80  }
0x17: {  	[sflag:s11] =	ssyncset.done $0x0  }
0x18: {  	[sflag:s11] =	ssyncadd.s32 $0xFFFFFF80  }
0x19: {  	_ =	swait.ge [sflag:s8], $0x80  }
0x1a: {  	[sflag:s8] =	ssyncset.done $0x0  }
0x1b: {  	[sflag:s8] =	ssyncadd.s32 $0xFFFFFF80  }
0x1c: {  	_ =	swait.ge [sflag:s9], $0x80  }
0x1d: {  	[sflag:s9] =	ssyncset.done $0x0  }
0x1e: {  	[sflag:s9] =	ssyncadd.s32 $0xFFFFFF80  }
0x1f: {  	_ =	swait.ge [sflag:s10], $0x80  }
0x20: {  	[sflag:s10] =	ssyncset.done $0x0  }
0x21: {  	[sflag:s10] =	ssyncadd.s32 $0xFFFFFF80  }
0x22: {  	_ =	swait.ge [sflag:s11], $0x80  }
0x23: {  	[sflag:s11] =	ssyncset.done $0x0  }
0x24: {  	[sflag:s11] =	ssyncadd.s32 $0xFFFFFF80  }
0x25: {  	_ =	swait.ge [sflag:s8], $0x80  }
0x26: {  	[sflag:s8] =	ssyncset.done $0x0  }
0x27: {  	[sflag:s8] =	ssyncadd.s32 $0xFFFFFF80  }
0x28: {  	_ =	swait.ge [sflag:s9], $0x80  }
0x29: {  	[sflag:s9] =	ssyncset.done $0x0  }
0x2a: {  	[sflag:s9] =	ssyncadd.s32 $0xFFFFFF80  }
0x2b: {  	_ =	swait.ge [sflag:s10], $0x80  }
0x2c: {  	[sflag:s10] =	ssyncset.done $0x0  }
0x2d: {  	[sflag:s10] =	ssyncadd.s32 $0xFFFFFF80  }
0x2e: {  	_ =	swait.ge [sflag:s11], $0x80  }
0x2f: {  	[sflag:s11] =	ssyncset.done $0x0  }
0x30: {  	[sflag:s11] =	ssyncadd.s32 $0xFFFFFF80  }
0x31: {  	_ =	swait.ge [sflag:s8], $0x80  }
0x32: {  	[sflag:s8] =	ssyncset.done $0x0  }
0x33: {  	[sflag:s8] =	ssyncadd.s32 $0xFFFFFF80  }
0x34: {  	_ =	swait.ge [sflag:s9], $0x80  }
0x35: {  	[sflag:s9] =	ssyncset.done $0x0  }
0x36: {  	[sflag:s9] =	ssyncadd.s32 $0xFFFFFF80  }
0x37: {  	_ =	swait.ge [sflag:s10], $0x80  }
0x38: {  	[sflag:s10] =	ssyncset.done $0x0  }
0x39: {  	[sflag:s10] =	ssyncadd.s32 $0xFFFFFF80  }
0x3a: {  	_ =	swait.ge [sflag:s11], $0x80  }
0x3b: {  	[sflag:s11] =	ssyncset.done $0x0  }
0x3c: {  	[sflag:s11] =	ssyncadd.s32 $0xFFFFFF80  }
0x3d: {  	_ =	swait.ge [sflag:s8], $0x80  }
0x3e: {  	[sflag:s8] =	ssyncset.done $0x0  }
0x3f: {  	[sflag:s8] =	ssyncadd.s32 $0xFFFFFF80  }
0x40: {  	_ =	swait.ge [sflag:s9], $0x80  }
0x41: {  	[sflag:s9] =	ssyncset.done $0x0  }
0x42: {  	[sflag:s9] =	ssyncadd.s32 $0xFFFFFF80  }
0x43: {  	_ =	swait.ge [sflag:s10], $0x80  }
0x44: {  	[sflag:s10] =	ssyncset.done $0x0  }
0x45: {  	[sflag:s10] =	ssyncadd.s32 $0xFFFFFF80  }
0x46: {  	_ =	swait.ge [sflag:s11], $0x80  }
0x47: {  	[sflag:s11] =	ssyncset.done $0x0  }
0x48: {  	[sflag:s11] =	ssyncadd.s32 $0xFFFFFF80  }
0x49: {  	_ =	swait.ge [sflag:s8], $0x80  }
0x4a: {  	[sflag:s8] =	ssyncset.done $0x0  }
0x4b: {  	[sflag:s8] =	ssyncadd.s32 $0xFFFFFF80  }
0x4c: {  	_ =	swait.ge [sflag:s9], $0x80  }
0x4d: {  	[sflag:s9] =	ssyncset.done $0x0  }
0x4e: {  	[sflag:s9] =	ssyncadd.s32 $0xFFFFFF80  }
0x4f: {  	_ =	swait.ge [sflag:s10], $0x80  }
0x50: {  	[sflag:s10] =	ssyncset.done $0x0  }
0x51: {  	[sflag:s10] =	ssyncadd.s32 $0xFFFFFF80  }
0x52: {  	_ =	swait.ge [sflag:s11], $0x80  }
0x53: {  	[sflag:s11] =	ssyncset.done $0x0  }
0x54: {  	[sflag:s11] =	ssyncadd.s32 $0xFFFFFF80  }
0x55: {  	_ =	swait.ge [sflag:s8], $0x80  }
0x56: {  	[sflag:s8] =	ssyncset.done $0x0  }
0x57: {  	[sflag:s8] =	ssyncadd.s32 $0xFFFFFF80  }
0x58: {  	_ =	swait.ge [sflag:s9], $0x80  }
0x59: {  	[sflag:s9] =	ssyncset.done $0x0  }
0x5a: {  	[sflag:s9] =	ssyncadd.s32 $0xFFFFFF80  }
0x5b: {  	_ =	swait.ge [sflag:s10], $0x80  }
0x5c: {  	[sflag:s10] =	ssyncset.done $0x0  }
0x5d: {  	[sflag:s10] =	ssyncadd.s32 $0xFFFFFF80  }
0x5e: {  	_ =	swait.ge [sflag:s11], $0x80  }
0x5f: {  	[sflag:s11] =	ssyncset.done $0x0  }
0x60: {  	[sflag:s11] =	ssyncadd.s32 $0xFFFFFF80  }
0x61: {  	_ =	swait.ge [sflag:s8], $0x80  }
0x62: {  	[sflag:s8] =	ssyncset.done $0x0  }
0x63: {  	[sflag:s8] =	ssyncadd.s32 $0xFFFFFF80  }
0x64: {  	_ =	swait.ge [sflag:s9], $0x80  }
0x65: {  	[sflag:s9] =	ssyncset.done $0x0  }
0x66: {  	[sflag:s9] =	ssyncadd.s32 $0xFFFFFF80  }
0x67: {  	_ =	swait.ge [sflag:s10], $0x80  }
0x68: {  	[sflag:s10] =	ssyncset.done $0x0  }
0x69: {  	[sflag:s10] =	ssyncadd.s32 $0xFFFFFF80  }
0x6a: {  	s13 =	sadd.s32 $0x1, s13;
	_ =	swait.ge [sflag:s11], $0x80  }
0x6b: {  	p0 =	sne.s32 s13, s6;
	[sflag:s11] =	ssyncset.done $0x0  }
.Ltmp1:
0x6c: {  	[sflag:s11] =	ssyncadd.s32 $0xFFFFFF80;
	(pc) =	sbr.rel @!p0 .LBB2_6-.Ltmp1, $4  }
0x6d: {  	[hbm4b:s5+s2] =	stream.linear.scatter [tilespmem:s12], [sflag:$0x5], $0x10000, $0x38;
	[tilespmem:$0x10200] =	vst v63  }
0x6e: {  	_ =	swait.ge [sflag:s7], $0x10000  }
0x6f: {  	[sflag:s7] =	ssyncset.done $0x0  }
0x70: {  	[sflag:s7] =	ssyncadd.s32 $0xFFFF0000  }
.LBB2_1:
.Ltmp2:
0x71: {  	(pc) =	sbr.rel .LBB2_2-.Ltmp2, $4  }
0x72: {  	[tilespmem:s2], [sflag:$0x5] =	stream.linear.gather [hbm4b:s4+s2], $0x200, $0x38;
	[tilespmem:$0x10200] =	vst v63  }
0x73: {  	_ =	swait.ge [sflag:s7], $0x200  }
0x74: {  	[sflag:s7] =	ssyncset.done $0x0  }
0x75: {  	s14 =	simm.s32 $0x10;
	s15 =	simm.s32 $0x0;
	[sflag:s7] =	ssyncadd.s32 $0xFFFFFE00  }
.LBB2_4:
0x76: {  	s15 =	sadd.s32 $0x4000, s15  }
0x77: {  	p0 =	sne.s32 s15, $0x40000  }
.Ltmp3:
0x78: {  	_ = 	snop;
	(pc) =	sbr.rel @!p0 .LBB2_5-.Ltmp3, $2  }
0x79: {  	_ =	sdelay $0x2  }
0x7a: {  	s14 =	sadd.s32 $0x20, s14  }
.LBB2_2:
0x7b: {  	v0 =	vld [tilespmem:s14+$0xFFFFFFF0];
	_ =	sdelay $0x4  }
0x7c: {  	v0 =	vshll.u32 v0, $0x4  }
0x7d: {  	(v2sf) =	vpush v0, $0x0;
	_ =	sdelay $0x1  }
0x7e: {  	(v2sf) =	vpush v0, $0x1;
	_ =	sdelay $0x1  }
0x7f: {  	(v2sf) =	vpush v0, $0x2;
	_ =	sdelay $0x2  }
0x80: {  	(v2sf) =	vpush v0, $0x3;
	_ =	sdelay $0x7  }
0x81: {  	s17 =	spop (v2sf);
	(v2sf) =	vpush v0, $0x4;
	_ =	sdelay $0x1  }
0x82: {  	s19 =	spop (v2sf);
	(v2sf) =	vpush v0, $0x5;
	_ =	sdelay $0x1  }
0x83: {  	s21 =	spop (v2sf);
	(v2sf) =	vpush v0, $0x6;
	_ =	sdelay $0x1  }
0x84: {  	s16 =	sshra.s32 s15, $0x2;
	s17 =	sand.u32 $0x1FFFFFF0, s17  }
0x85: {  	s18 =	sadd.s32 $0x200, s16;
	s17 =	sadd.s32 s3, s17;
	s23 =	spop (v2sf);
	(v2sf) =	vpush v0, $0x7  }
0x86: {  	[tilespmem:s18], [sflag:$0x1] =	stream.linear.gather [hbm4b:s17+s2], $0x80, $0x38;
	[tilespmem:$0x10200] =	vst v63  }
0x87: {  	s17 =	sand.u32 $0x1FFFFFF0, s19  }
0x88: {  	s20 =	sadd.s32 $0x280, s16;
	s17 =	sadd.s32 s3, s17  }
0x89: {  	[tilespmem:s20], [sflag:$0x2] =	stream.linear.gather [hbm4b:s17+s2], $0x80, $0x38;
	[tilespmem:$0x10200] =	vst v63  }
0x8a: {  	s17 =	sand.u32 $0x1FFFFFF0, s21  }
0x8b: {  	s22 =	sadd.s32 $0x300, s16;
	s17 =	sadd.s32 s3, s17  }
0x8c: {  	[tilespmem:s22], [sflag:$0x3] =	stream.linear.gather [hbm4b:s17+s2], $0x80, $0x38;
	[tilespmem:$0x10200] =	vst v63  }
0x8d: {  	s25 =	spop (v2sf);
	(v2sf) =	vpush v0, $0x8  }
0x8e: {  	s17 =	sand.u32 $0x1FFFFFF0, s23  }
0x8f: {  	s24 =	sadd.s32 $0x380, s16;
	s17 =	sadd.s32 s3, s17;
	s28 =	spop (v2sf);
	(v2sf) =	vpush v0, $0x9  }
0x90: {  	[tilespmem:s24], [sflag:$0x4] =	stream.linear.gather [hbm4b:s17+s2], $0x80, $0x38;
	[tilespmem:$0x10200] =	vst v63  }
0x91: {  	s17 =	sand.u32 $0x1FFFFFF0, s25;
	s30 =	spop (v2sf);
	(v2sf) =	vpush v0, $0xA  }
0x92: {  	s26 =	sadd.s32 $0x400, s16;
	s17 =	sadd.s32 s3, s17  }
0x93: {  	[tilespmem:s26], [sflag:$0x1] =	stream.linear.gather [hbm4b:s17+s2], $0x80, $0x38;
	[tilespmem:$0x10200] =	vst v63  }
0x94: {  	s19 =	spop (v2sf);
	(v2sf) =	vpush v0, $0xB  }
0x95: {  	s17 =	sand.u32 $0x1FFFFFF0, s28  }
0x96: {  	s29 =	sadd.s32 $0x480, s16;
	s17 =	sadd.s32 s3, s17  }
0x97: {  	[tilespmem:s29], [sflag:$0x2] =	stream.linear.gather [hbm4b:s17+s2], $0x80, $0x38;
	[tilespmem:$0x10200] =	vst v63  }
0x98: {  	s17 =	sand.u32 $0x1FFFFFF0, s30  }
0x99: {  	s31 =	sadd.s32 $0x500, s16;
	s17 =	sadd.s32 s3, s17  }
0x9a: {  	[tilespmem:s31], [sflag:$0x3] =	stream.linear.gather [hbm4b:s17+s2], $0x80, $0x38;
	[tilespmem:$0x10200] =	vst v63  }
0x9b: {  	s17 =	sand.u32 $0x1FFFFFF0, s19  }
0x9c: {  	s20 =	sadd.s32 $0x580, s16;
	s17 =	sadd.s32 s3, s17;
	s21 =	spop (v2sf);
	(v2sf) =	vpush v0, $0xC  }
0x9d: {  	[tilespmem:s20], [sflag:$0x4] =	stream.linear.gather [hbm4b:s17+s2], $0x80, $0x38;
	[tilespmem:$0x10200] =	vst v63  }
0x9e: {  	s23 =	spop (v2sf);
	(v2sf) =	vpush v0, $0xD  }
0x9f: {  	s17 =	sand.u32 $0x1FFFFFF0, s21  }
0xa0: {  	s22 =	sadd.s32 $0x600, s16;
	s17 =	sadd.s32 s3, s17;
	s25 =	spop (v2sf)  }
0xa1: {  	(v2sf) =	vpush v0, $0xE;
	[tilespmem:s22], [sflag:$0x1] =	stream.linear.gather [hbm4b:s17+s2], $0x80, $0x38;
	[tilespmem:$0x10200] =	vst v63  }
0xa2: {  	s17 =	sand.u32 $0x1FFFFFF0, s23  }
0xa3: {  	s24 =	sadd.s32 $0x680, s16;
	s28 =	spop (v2sf);
	s17 =	sadd.s32 s3, s17  }
0xa4: {  	(v2sf) =	vpush v0, $0xF;
	[tilespmem:s24], [sflag:$0x2] =	stream.linear.gather [hbm4b:s17+s2], $0x80, $0x38;
	[tilespmem:$0x10200] =	vst v63  }
0xa5: {  	s17 =	sand.u32 $0x1FFFFFF0, s25  }
0xa6: {  	s26 =	sadd.s32 $0x700, s16;
	s17 =	sadd.s32 s3, s17  }
0xa7: {  	[tilespmem:s26], [sflag:$0x3] =	stream.linear.gather [hbm4b:s17+s2], $0x80, $0x38;
	[tilespmem:$0x10200] =	vst v63  }
0xa8: {  	s17 =	sand.u32 $0x1FFFFFF0, s28  }
0xa9: {  	s29 =	sadd.s32 $0x780, s16;
	s17 =	sadd.s32 s3, s17  }
0xaa: {  	[tilespmem:s29], [sflag:$0x4] =	stream.linear.gather [hbm4b:s17+s2], $0x80, $0x38;
	[tilespmem:$0x10200] =	vst v63  }
0xab: {  	s30 =	spop (v2sf)  }
0xac: {  	s17 =	sand.u32 $0x1FFFFFF0, s30  }
0xad: {  	s31 =	sadd.s32 $0x800, s16;
	s19 =	spop (v2sf);
	s17 =	sadd.s32 s3, s17  }
0xae: {  	[tilespmem:s31], [sflag:$0x1] =	stream.linear.gather [hbm4b:s17+s2], $0x80, $0x38;
	[tilespmem:$0x10200] =	vst v63  }
0xaf: {  	s17 =	sand.u32 $0x1FFFFFF0, s19  }
0xb0: {  	s20 =	sadd.s32 $0x880, s16;
	s21 =	spop (v2sf);
	s17 =	sadd.s32 s3, s17  }
0xb1: {  	[tilespmem:s20], [sflag:$0x2] =	stream.linear.gather [hbm4b:s17+s2], $0x80, $0x38;
	[tilespmem:$0x10200] =	vst v63  }
0xb2: {  	s17 =	sand.u32 $0x1FFFFFF0, s21  }
0xb3: {  	s22 =	sadd.s32 $0x900, s16;
	s23 =	spop (v2sf);
	s17 =	sadd.s32 s3, s17  }
0xb4: {  	[tilespmem:s22], [sflag:$0x3] =	stream.linear.gather [hbm4b:s17+s2], $0x80, $0x38;
	[tilespmem:$0x10200] =	vst v63  }
0xb5: {  	s17 =	sand.u32 $0x1FFFFFF0, s23  }
0xb6: {  	s24 =	sadd.s32 $0x980, s16;
	s17 =	sadd.s32 s3, s17  }
0xb7: {  	[tilespmem:s24], [sflag:$0x4] =	stream.linear.gather [hbm4b:s17+s2], $0x80, $0x38;
	[tilespmem:$0x10200] =	vst v63  }
0xb8: {  	v63 =	vld [tilespmem:s14+$0x0];
	_ =	sdelay $0x4  }
0xb9: {  	v0 =	vshll.u32 v63, $0x4  }
0xba: {  	(v2sf) =	vpush v0, $0x0;
	_ =	sdelay $0x1  }
0xbb: {  	(v2sf) =	vpush v0, $0x1;
	_ =	sdelay $0x1  }
0xbc: {  	(v2sf) =	vpush v0, $0x2;
	_ =	sdelay $0x2  }
0xbd: {  	(v2sf) =	vpush v0, $0x3;
	_ =	sdelay $0x7  }
0xbe: {  	s25 =	spop (v2sf);
	(v2sf) =	vpush v0, $0x4;
	_ =	sdelay $0x1  }
0xbf: {  	s28 =	spop (v2sf);
	(v2sf) =	vpush v0, $0x5;
	_ =	sdelay $0x1  }
0xc0: {  	s30 =	spop (v2sf);
	(v2sf) =	vpush v0, $0x6;
	_ =	sdelay $0x1  }
0xc1: {  	s17 =	sand.u32 $0x1FFFFFF0, s25  }
0xc2: {  	s26 =	sadd.s32 $0xA00, s16;
	s17 =	sadd.s32 s3, s17;
	s19 =	spop (v2sf);
	(v2sf) =	vpush v0, $0x7  }
0xc3: {  	[tilespmem:s26], [sflag:$0x1] =	stream.linear.gather [hbm4b:s17+s2], $0x80, $0x38;
	[tilespmem:$0x10200] =	vst v63  }
0xc4: {  	s17 =	sand.u32 $0x1FFFFFF0, s28  }
0xc5: {  	s29 =	sadd.s32 $0xA80, s16;
	s17 =	sadd.s32 s3, s17  }
0xc6: {  	[tilespmem:s29], [sflag:$0x2] =	stream.linear.gather [hbm4b:s17+s2], $0x80, $0x38;
	[tilespmem:$0x10200] =	vst v63  }
0xc7: {  	s17 =	sand.u32 $0x1FFFFFF0, s30  }
0xc8: {  	s31 =	sadd.s32 $0xB00, s16;
	s17 =	sadd.s32 s3, s17  }
0xc9: {  	[tilespmem:s31], [sflag:$0x3] =	stream.linear.gather [hbm4b:s17+s2], $0x80, $0x38;
	[tilespmem:$0x10200] =	vst v63  }
0xca: {  	s21 =	spop (v2sf);
	(v2sf) =	vpush v0, $0x8  }
0xcb: {  	s17 =	sand.u32 $0x1FFFFFF0, s19  }
0xcc: {  	s20 =	sadd.s32 $0xB80, s16;
	s17 =	sadd.s32 s3, s17;
	s23 =	spop (v2sf);
	(v2sf) =	vpush v0, $0x9  }
0xcd: {  	[tilespmem:s20], [sflag:$0x4] =	stream.linear.gather [hbm4b:s17+s2], $0x80, $0x38;
	[tilespmem:$0x10200] =	vst v63  }
0xce: {  	s17 =	sand.u32 $0x1FFFFFF0, s21;
	s25 =	spop (v2sf);
	(v2sf) =	vpush v0, $0xA  }
0xcf: {  	s22 =	sadd.s32 $0xC00, s16;
	s17 =	sadd.s32 s3, s17  }
0xd0: {  	[tilespmem:s22], [sflag:$0x1] =	stream.linear.gather [hbm4b:s17+s2], $0x80, $0x38;
	[tilespmem:$0x10200] =	vst v63  }
0xd1: {  	s28 =	spop (v2sf);
	(v2sf) =	vpush v0, $0xB  }
0xd2: {  	s17 =	sand.u32 $0x1FFFFFF0, s23  }
0xd3: {  	s24 =	sadd.s32 $0xC80, s16;
	s17 =	sadd.s32 s3, s17  }
0xd4: {  	[tilespmem:s24], [sflag:$0x2] =	stream.linear.gather [hbm4b:s17+s2], $0x80, $0x38;
	[tilespmem:$0x10200] =	vst v63  }
0xd5: {  	s17 =	sand.u32 $0x1FFFFFF0, s25  }
0xd6: {  	s26 =	sadd.s32 $0xD00, s16;
	s17 =	sadd.s32 s3, s17  }
0xd7: {  	[tilespmem:s26], [sflag:$0x3] =	stream.linear.gather [hbm4b:s17+s2], $0x80, $0x38;
	[tilespmem:$0x10200] =	vst v63  }
0xd8: {  	s17 =	sand.u32 $0x1FFFFFF0, s28  }
0xd9: {  	s29 =	sadd.s32 $0xD80, s16;
	s17 =	sadd.s32 s3, s17;
	s30 =	spop (v2sf);
	(v2sf) =	vpush v0, $0xC  }
0xda: {  	[tilespmem:s29], [sflag:$0x4] =	stream.linear.gather [hbm4b:s17+s2], $0x80, $0x38;
	[tilespmem:$0x10200] =	vst v63  }
0xdb: {  	s18 =	spop (v2sf);
	(v2sf) =	vpush v0, $0xD  }
0xdc: {  	s17 =	sand.u32 $0x1FFFFFF0, s30  }
0xdd: {  	s31 =	sadd.s32 $0xE00, s16;
	s17 =	sadd.s32 s3, s17;
	s20 =	spop (v2sf)  }
0xde: {  	(v2sf) =	vpush v0, $0xE;
	[tilespmem:s31], [sflag:$0x1] =	stream.linear.gather [hbm4b:s17+s2], $0x80, $0x38;
	[tilespmem:$0x10200] =	vst v63  }
0xdf: {  	s17 =	sand.u32 $0x1FFFFFF0, s18  }
0xe0: {  	s19 =	sadd.s32 $0xE80, s16;
	s22 =	spop (v2sf);
	s17 =	sadd.s32 s3, s17  }
0xe1: {  	(v2sf) =	vpush v0, $0xF;
	[tilespmem:s19], [sflag:$0x2] =	stream.linear.gather [hbm4b:s17+s2], $0x80, $0x38;
	[tilespmem:$0x10200] =	vst v63  }
0xe2: {  	s17 =	sand.u32 $0x1FFFFFF0, s20  }
0xe3: {  	s21 =	sadd.s32 $0xF00, s16;
	s17 =	sadd.s32 s3, s17  }
0xe4: {  	[tilespmem:s21], [sflag:$0x3] =	stream.linear.gather [hbm4b:s17+s2], $0x80, $0x38;
	[tilespmem:$0x10200] =	vst v63  }
0xe5: {  	s17 =	sand.u32 $0x1FFFFFF0, s22  }
0xe6: {  	s23 =	sadd.s32 $0xF80, s16;
	s17 =	sadd.s32 s3, s17  }
0xe7: {  	[tilespmem:s23], [sflag:$0x4] =	stream.linear.gather [hbm4b:s17+s2], $0x80, $0x38;
	[tilespmem:$0x10200] =	vst v63  }
0xe8: {  	s24 =	spop (v2sf)  }
0xe9: {  	s17 =	sand.u32 $0x1FFFFFF0, s24  }
0xea: {  	s25 =	sadd.s32 $0x1000, s16;
	s26 =	spop (v2sf);
	s17 =	sadd.s32 s3, s17  }
0xeb: {  	[tilespmem:s25], [sflag:$0x1] =	stream.linear.gather [hbm4b:s17+s2], $0x80, $0x38;
	[tilespmem:$0x10200] =	vst v63  }
0xec: {  	s17 =	sand.u32 $0x1FFFFFF0, s26  }
0xed: {  	s28 =	sadd.s32 $0x1080, s16;
	s29 =	spop (v2sf);
	s17 =	sadd.s32 s3, s17  }
0xee: {  	[tilespmem:s28], [sflag:$0x2] =	stream.linear.gather [hbm4b:s17+s2], $0x80, $0x38;
	[tilespmem:$0x10200] =	vst v63  }
0xef: {  	p0 =	seq.s32 s15, $0x0;
	s30 =	sadd.s32 $0x1100, s16;
	s17 =	sand.u32 $0x1FFFFFF0, s29  }
.Ltmp4:
0xf0: {  	s31 =	spop (v2sf);
	s17 =	sadd.s32 s3, s17;
	(pc) =	sbr.rel @p0 .LBB2_4-.Ltmp4, $4  }
0xf1: {  	[tilespmem:s30], [sflag:$0x3] =	stream.linear.gather [hbm4b:s17+s2], $0x80, $0x38;
	[tilespmem:$0x10200] =	vst v63  }
0xf2: {  	s17 =	sand.u32 $0x1FFFFFF0, s31  }
0xf3: {  	s16 =	sadd.s32 $0x1180, s16;
	s17 =	sadd.s32 s3, s17  }
0xf4: {  	[tilespmem:s16], [sflag:$0x4] =	stream.linear.gather [hbm4b:s17+s2], $0x80, $0x38;
	[tilespmem:$0x10200] =	vst v63  }
0xf5: {  	_ =	swait.ge [sflag:s8], $0x80  }
0xf6: {  	[sflag:s8] =	ssyncset.done $0x0  }
0xf7: {  	[sflag:s8] =	ssyncadd.s32 $0xFFFFFF80  }
0xf8: {  	_ =	swait.ge [sflag:s9], $0x80  }
0xf9: {  	[sflag:s9] =	ssyncset.done $0x0  }
0xfa: {  	[sflag:s9] =	ssyncadd.s32 $0xFFFFFF80  }
0xfb: {  	_ =	swait.ge [sflag:s10], $0x80  }
0xfc: {  	[sflag:s10] =	ssyncset.done $0x0  }
0xfd: {  	[sflag:s10] =	ssyncadd.s32 $0xFFFFFF80  }
0xfe: {  	_ =	swait.ge [sflag:s11], $0x80  }
0xff: {  	[sflag:s11] =	ssyncset.done $0x0  }
0x100: {  	[sflag:s11] =	ssyncadd.s32 $0xFFFFFF80  }
0x101: {  	_ =	swait.ge [sflag:s8], $0x80  }
0x102: {  	[sflag:s8] =	ssyncset.done $0x0  }
0x103: {  	[sflag:s8] =	ssyncadd.s32 $0xFFFFFF80  }
0x104: {  	_ =	swait.ge [sflag:s9], $0x80  }
0x105: {  	[sflag:s9] =	ssyncset.done $0x0  }
0x106: {  	[sflag:s9] =	ssyncadd.s32 $0xFFFFFF80  }
0x107: {  	_ =	swait.ge [sflag:s10], $0x80  }
0x108: {  	[sflag:s10] =	ssyncset.done $0x0  }
0x109: {  	[sflag:s10] =	ssyncadd.s32 $0xFFFFFF80  }
0x10a: {  	_ =	swait.ge [sflag:s11], $0x80  }
0x10b: {  	[sflag:s11] =	ssyncset.done $0x0  }
0x10c: {  	[sflag:s11] =	ssyncadd.s32 $0xFFFFFF80  }
0x10d: {  	_ =	swait.ge [sflag:s8], $0x80  }
0x10e: {  	[sflag:s8] =	ssyncset.done $0x0  }
0x10f: {  	[sflag:s8] =	ssyncadd.s32 $0xFFFFFF80  }
0x110: {  	_ =	swait.ge [sflag:s9], $0x80  }
0x111: {  	[sflag:s9] =	ssyncset.done $0x0  }
0x112: {  	[sflag:s9] =	ssyncadd.s32 $0xFFFFFF80  }
0x113: {  	_ =	swait.ge [sflag:s10], $0x80  }
0x114: {  	[sflag:s10] =	ssyncset.done $0x0  }
0x115: {  	[sflag:s10] =	ssyncadd.s32 $0xFFFFFF80  }
0x116: {  	_ =	swait.ge [sflag:s11], $0x80  }
0x117: {  	[sflag:s11] =	ssyncset.done $0x0  }
0x118: {  	[sflag:s11] =	ssyncadd.s32 $0xFFFFFF80  }
0x119: {  	_ =	swait.ge [sflag:s8], $0x80  }
0x11a: {  	[sflag:s8] =	ssyncset.done $0x0  }
0x11b: {  	[sflag:s8] =	ssyncadd.s32 $0xFFFFFF80  }
0x11c: {  	_ =	swait.ge [sflag:s9], $0x80  }
0x11d: {  	[sflag:s9] =	ssyncset.done $0x0  }
0x11e: {  	[sflag:s9] =	ssyncadd.s32 $0xFFFFFF80  }
0x11f: {  	_ =	swait.ge [sflag:s10], $0x80  }
0x120: {  	[sflag:s10] =	ssyncset.done $0x0  }
0x121: {  	[sflag:s10] =	ssyncadd.s32 $0xFFFFFF80  }
0x122: {  	_ =	swait.ge [sflag:s11], $0x80  }
0x123: {  	[sflag:s11] =	ssyncset.done $0x0  }
0x124: {  	[sflag:s11] =	ssyncadd.s32 $0xFFFFFF80  }
0x125: {  	_ =	swait.ge [sflag:s8], $0x80  }
0x126: {  	[sflag:s8] =	ssyncset.done $0x0  }
0x127: {  	[sflag:s8] =	ssyncadd.s32 $0xFFFFFF80  }
0x128: {  	_ =	swait.ge [sflag:s9], $0x80  }
0x129: {  	[sflag:s9] =	ssyncset.done $0x0  }
0x12a: {  	[sflag:s9] =	ssyncadd.s32 $0xFFFFFF80  }
0x12b: {  	_ =	swait.ge [sflag:s10], $0x80  }
0x12c: {  	[sflag:s10] =	ssyncset.done $0x0  }
0x12d: {  	[sflag:s10] =	ssyncadd.s32 $0xFFFFFF80  }
0x12e: {  	_ =	swait.ge [sflag:s11], $0x80  }
0x12f: {  	[sflag:s11] =	ssyncset.done $0x0  }
0x130: {  	[sflag:s11] =	ssyncadd.s32 $0xFFFFFF80  }
0x131: {  	_ =	swait.ge [sflag:s8], $0x80  }
0x132: {  	[sflag:s8] =	ssyncset.done $0x0  }
0x133: {  	[sflag:s8] =	ssyncadd.s32 $0xFFFFFF80  }
0x134: {  	_ =	swait.ge [sflag:s9], $0x80  }
0x135: {  	[sflag:s9] =	ssyncset.done $0x0  }
0x136: {  	[sflag:s9] =	ssyncadd.s32 $0xFFFFFF80  }
0x137: {  	_ =	swait.ge [sflag:s10], $0x80  }
0x138: {  	[sflag:s10] =	ssyncset.done $0x0  }
0x139: {  	[sflag:s10] =	ssyncadd.s32 $0xFFFFFF80  }
0x13a: {  	_ =	swait.ge [sflag:s11], $0x80  }
0x13b: {  	[sflag:s11] =	ssyncset.done $0x0  }
0x13c: {  	[sflag:s11] =	ssyncadd.s32 $0xFFFFFF80  }
0x13d: {  	_ =	swait.ge [sflag:s8], $0x80  }
0x13e: {  	[sflag:s8] =	ssyncset.done $0x0  }
0x13f: {  	[sflag:s8] =	ssyncadd.s32 $0xFFFFFF80  }
0x140: {  	_ =	swait.ge [sflag:s9], $0x80  }
0x141: {  	[sflag:s9] =	ssyncset.done $0x0  }
0x142: {  	[sflag:s9] =	ssyncadd.s32 $0xFFFFFF80  }
0x143: {  	_ =	swait.ge [sflag:s10], $0x80  }
0x144: {  	[sflag:s10] =	ssyncset.done $0x0  }
0x145: {  	[sflag:s10] =	ssyncadd.s32 $0xFFFFFF80  }
0x146: {  	_ =	swait.ge [sflag:s11], $0x80  }
0x147: {  	[sflag:s11] =	ssyncset.done $0x0  }
0x148: {  	[sflag:s11] =	ssyncadd.s32 $0xFFFFFF80  }
0x149: {  	_ =	swait.ge [sflag:s8], $0x80  }
0x14a: {  	[sflag:s8] =	ssyncset.done $0x0  }
0x14b: {  	[sflag:s8] =	ssyncadd.s32 $0xFFFFFF80  }
0x14c: {  	_ =	swait.ge [sflag:s9], $0x80  }
0x14d: {  	[sflag:s9] =	ssyncset.done $0x0  }
0x14e: {  	[sflag:s9] =	ssyncadd.s32 $0xFFFFFF80  }
0x14f: {  	_ =	swait.ge [sflag:s10], $0x80  }
.Ltmp5:
0x150: {  	[sflag:s10] =	ssyncset.done $0x0;
	(pc) =	sbr.rel .LBB2_4-.Ltmp5, $4  }
0x151: {  	[sflag:s10] =	ssyncadd.s32 $0xFFFFFF80  }
0x152: {  	_ =	swait.ge [sflag:s11], $0x80  }
0x153: {  	[sflag:s11] =	ssyncset.done $0x0  }
0x154: {  	[sflag:s11] =	ssyncadd.s32 $0xFFFFFF80  }
.LBB2_6:
0x155: {  	_ =	sfence.sel $0x180000  }
0x156: {  	[bflag:$0x0] =	sbarrier.arrive $0xFFFF  }
0x157: {  	p0 =	sne.s32 s1, $0x0;
	_ =	strace $0x90000047  }
0x158: {  	s0 =	sadd.s32 @!p0 $0x100000, s0;
	[bflag:$0x2] =	sbarrier.arrive $0xFFFF  }
0x159: {  	[sflag:s0] =	ssyncadd.tile.s32 @!p0 $0x1;
	_ =	shalt  }
.Lfunc_end2:
_tile_overlayer_lowered:
.L_overlay_start_2:
0x15a: {  	(tag) =	ssettag $0x2  }
0x15b: {  	s0 =	rddreg [dreg:$0x0];
	s2 =	stileid.u32  }
0x15c: {  	s1 =	rddreg [dreg:$0x1];
	p0 =	sne.s32 s2, $0x0  }
0x15d: {  	s3 =	rddreg [dreg:$0x2];
	[bflag:$0x3] =	sbarrier.arrive $0xFFFF;
	s2 =	simm.s32 @!p0 $0x1C05  }
0x15e: {  	[timem:s3], [sflag:s2] =	dma.local @!p0 [hbm:s0], s1  }
0x15f: {  	s0 =	simm.s32 @!p0 $0x5  }
0x160: {  	_ =	swait.ge @!p0 [sflag:s0], s1  }
0x161: {  	s1 =	ssub.s32 @!p0 $0x0, s1;
	[sflag:s0] =	ssyncset.done @!p0 $0x0  }
0x162: {  	[sflag:s0] =	ssyncadd.s32 @!p0 s1  }
0x163: {  	[bflag:$0x3] =	sbarrier.arrive $0xFFFF  }
0x164: {  	_ =	shalt  }

</sc_bundles>
